<compile_context>
chip_gen: v7x
topology: tpu7x:2x2x1
jax: 0.10.2.dev20260603
libtpu: 0.0.44.dev20260713+nightly
codegen_flags: <defaults>
</compile_context>

<pallas_src>
import functools

import jax
import jax.numpy as jnp
from jax import lax
from jax.experimental import pallas as pl
from jax.experimental.pallas import tpu as pltpu
from jax.experimental.pallas import tpu_sc as plsc

B, S, P, F = 4, 2048, 16, 128
D = P * F
ROWS = B * S
L = 16
NC, NS = 2, 16
NW = NC * NS
RPW = ROWS // NW
CH = 4
NCHUNK = RPW // CH
TABN = (P + 1) * D


def _compute_offsets(pad_v, offs_v):
    lanes = lax.iota(jnp.int32, L)

    @pl.loop(0, RPW // L)
    def _(g):
        row_idx = (g * L + lanes) * P
        acc = jnp.zeros((L,), jnp.int32)
        for k in range(P):
            col = plsc.load_gather(pad_v, [row_idx + k])
            acc = acc + jnp.where(col == 0, jnp.int32(1), jnp.int32(0))
        offs_v[pl.ds(g * L, L)] = acc * D


def _add_rows(cc, ibuf, obuf, offs_v, tab_v):
    lanes = lax.iota(jnp.int32, L)

    @pl.loop(0, CH)
    def _(r):
        rb = r * D
        row = cc * CH + r
        offv = plsc.load_gather(offs_v, [jnp.full((L,), row, jnp.int32)])
        base_idx = offv + lanes

        @plsc.parallel_loop(0, D // L, unroll=8)
        def _(j):
            trow = plsc.load_gather(tab_v, [base_idx + j * L])
            sl = pl.ds(rb + j * L, L)
            obuf[sl] = ibuf[sl] + trow


def _sc_body(in_hbm, pad_hbm, tab_hbm, out_hbm,
             tab_v, pad_v, offs_v, ib0, ib1, ob0, ob1,
             smi, smo,
             hi0, hi1, ti0, ti1, to0, to1, ho0, ho1):
    cid = lax.axis_index("c")
    sid = lax.axis_index("s")
    wid = sid * NC + cid
    base = wid * RPW

    pltpu.sync_copy(tab_hbm, tab_v)
    pltpu.sync_copy(pad_hbm.at[pl.ds(base * P, RPW * P)], pad_v)
    _compute_offsets(pad_v, offs_v)

    ibufs, obufs = (ib0, ib1), (ob0, ob1)
    smis = (smi.at[0], smi.at[1])
    smos = (smo.at[0], smo.at[1])
    hsi, tsi = (hi0, hi1), (ti0, ti1)
    tso, hso = (to0, to1), (ho0, ho1)

    def hbm_in(k):
        return in_hbm.at[pl.ds((base + k * CH) * D, CH * D)]

    def hbm_out(k):
        return out_hbm.at[pl.ds((base + k * CH) * D, CH * D)]

    pltpu.async_copy(hbm_in(0), smis[0].at[sid], hsi[0])
    pltpu.async_copy(hbm_in(1), smis[1].at[sid], hsi[1])

    @pl.loop(0, NCHUNK + 2, step=2)
    def _(c):
        for b in range(2):
            i = c + b
            bp = 1 - b

            @pl.when(i < NCHUNK)
            def _():
                pltpu.make_async_copy(hbm_in(i), smis[b].at[sid],
                                      hsi[b]).wait()
                pltpu.async_copy(smis[b].at[sid], ibufs[b], tsi[b])

            @pl.when(jnp.logical_and(i >= 1, i <= NCHUNK))
            def _():
                pltpu.make_async_copy(smis[bp].at[sid], ibufs[bp],
                                      tsi[bp]).wait()

                @pl.when(i + 1 < NCHUNK)
                def _():
                    pltpu.async_copy(hbm_in(i + 1), smis[bp].at[sid],
                                     hsi[bp])

                @pl.when(i >= 3)
                def _():
                    pltpu.make_async_copy(smos[bp].at[sid], hbm_out(i - 3),
                                          hso[bp]).wait()

                _add_rows(i - 1, ibufs[bp], obufs[bp], offs_v, tab_v)
                pltpu.async_copy(obufs[bp], smos[bp].at[sid], tso[bp])

            @pl.when(jnp.logical_and(i >= 2, i <= NCHUNK + 1))
            def _():
                pltpu.make_async_copy(obufs[b], smos[b].at[sid],
                                      tso[b]).wait()
                pltpu.async_copy(smos[b].at[sid], hbm_out(i - 2), hso[b])

    pltpu.make_async_copy(smos[0].at[sid], hbm_out(NCHUNK - 2),
                          hso[0]).wait()
    pltpu.make_async_copy(smos[1].at[sid], hbm_out(NCHUNK - 1),
                          hso[1]).wait()


@functools.partial(jax.jit, static_argnums=())
def _run(flat_in, flat_pad, flat_tab):
    mesh = plsc.VectorSubcoreMesh(core_axis_name="c", subcore_axis_name="s",
                                  num_cores=NC, num_subcores=NS)
    f = pl.kernel(
        _sc_body,
        out_type=jax.ShapeDtypeStruct((ROWS * D,), jnp.float32),
        mesh=mesh,
        compiler_params=pltpu.CompilerParams(needs_layout_passes=False),
        scratch_types=[
            pltpu.VMEM((TABN,), jnp.float32),
            pltpu.VMEM((RPW * P,), jnp.int32),
            pltpu.VMEM((RPW,), jnp.int32),
            pltpu.VMEM((CH * D,), jnp.float32),
            pltpu.VMEM((CH * D,), jnp.float32),
            pltpu.VMEM((CH * D,), jnp.float32),
            pltpu.VMEM((CH * D,), jnp.float32),
            pltpu.VMEM_SHARED((2, NS, CH * D), jnp.float32),
            pltpu.VMEM_SHARED((2, NS, CH * D), jnp.float32),
            pltpu.SemaphoreType.DMA,
            pltpu.SemaphoreType.DMA,
            pltpu.SemaphoreType.DMA,
            pltpu.SemaphoreType.DMA,
            pltpu.SemaphoreType.DMA,
            pltpu.SemaphoreType.DMA,
            pltpu.SemaphoreType.DMA,
            pltpu.SemaphoreType.DMA,
        ],
    )
    return f(flat_in, flat_pad, flat_tab)


def kernel(inputs, paddings, table):
    flat_in = inputs.reshape(ROWS * D)
    flat_pad = paddings.reshape(ROWS * P)
    flat_tab = table.reshape(TABN)
    out = _run(flat_in, flat_pad, flat_tab)
    return out.reshape(B, S, D)

# --- scband reference (transcript-rebuilt; emitter-appended) ---
"""Pipeline reference for scband-byte-mixer-29858612641993 (READ-ONLY COPY).

The authoritative reference and input builder live on the scoring server;
editing this copy changes nothing except your own understanding.
"""

import jax, jax.numpy as jnp
import numpy as np

B, S, P, F = 4, 2048, 16, 128

def setup_inputs(seed: int = 0) -> dict:
    key = jax.random.key(seed)
    k1, k2, k3 = jax.random.split(key, 3)
    inputs = jax.random.normal(k1, (B, S, P, F), dtype=jnp.float32)
    paddings = jax.random.randint(k2, (B, S, P), 0, 2, dtype=jnp.int32)
    # learned embedding table: num_embeddings = patch_dim + 1, embedding_dim = P * F
    table = jax.random.normal(k3, (P + 1, P * F), dtype=jnp.float32) * 0.02
    return {"inputs": inputs, "paddings": paddings, "table": table}

def reference(inputs, paddings, table):
    # mask = (~paddings.bool()).long(); count of non-padded positions per patch
    mask = (~(paddings.astype(bool))).astype(jnp.int32)
    counts = jnp.sum(mask, axis=-1)  # [B, S], values in [0, P]
    # embedding lookup of per-patch valid-byte count
    measured = jnp.take(table, counts, axis=0)  # [B, S, P*F]
    # Merge(axis=-1, right=False): fold last axis into the one before it
    flat = inputs.reshape(inputs.shape[:-2] + (inputs.shape[-2] * inputs.shape[-1],))
    return measured + flat

if __name__ == "__main__":
    import jax
    _d = setup_inputs()
    print(jax.jit(kernel)(*tuple(_d.values())))

</pallas_src>

<mosaic_0001>
#map = affine_map<(d0, d1) -> (0)>
module attributes {stable_mosaic.version = 14 : i64} {
  func.func @_sc_body(%arg0: i32, %arg1: i32, %arg2: memref<16777216xf32, #tpu.memory_space<hbm>>, %arg3: memref<131072xi32, #tpu.memory_space<hbm>>, %arg4: memref<34816xf32, #tpu.memory_space<hbm>>, %arg5: memref<16777216xf32, #tpu.memory_space<hbm>>, %arg6: memref<34816xf32, #tpu.memory_space<vmem>>, %arg7: memref<4096xi32, #tpu.memory_space<vmem>>, %arg8: memref<256xi32, #tpu.memory_space<vmem>>, %arg9: memref<8192xf32, #tpu.memory_space<vmem>>, %arg10: memref<8192xf32, #tpu.memory_space<vmem>>, %arg11: memref<8192xf32, #tpu.memory_space<vmem>>, %arg12: memref<8192xf32, #tpu.memory_space<vmem>>, %arg13: memref<2x16x8192xf32, #tpu.memory_space<vmem_shared>>, %arg14: memref<2x16x8192xf32, #tpu.memory_space<vmem_shared>>, %arg15: memref<!tpu.dma_semaphore, #tpu.memory_space<semaphore_mem>>, %arg16: memref<!tpu.dma_semaphore, #tpu.memory_space<semaphore_mem>>, %arg17: memref<!tpu.dma_semaphore, #tpu.memory_space<semaphore_mem>>, %arg18: memref<!tpu.dma_semaphore, #tpu.memory_space<semaphore_mem>>, %arg19: memref<!tpu.dma_semaphore, #tpu.memory_space<semaphore_mem>>, %arg20: memref<!tpu.dma_semaphore, #tpu.memory_space<semaphore_mem>>, %arg21: memref<!tpu.dma_semaphore, #tpu.memory_space<semaphore_mem>>, %arg22: memref<!tpu.dma_semaphore, #tpu.memory_space<semaphore_mem>>) attributes {dimension_semantics = [#tpu.dimension_semantics<core_parallel>, #tpu.dimension_semantics<subcore_parallel>], iteration_bounds = array<i64: 2, 16>, scalar_prefetch = 0 : i64, scratch_operands = 17 : i64, tpu.core_type = #tpu.core_type<sc_vector_subcore>, window_params = [{transform_indices = #map}, {transform_indices = #map}, {transform_indices = #map}, {transform_indices = #map}]} {
    %mul3A = arith.constant 2 : i32
    %mul3A_0 = arith.muli %arg1, %mul3A : i32
    %add3A = arith.addi %mul3A_0, %arg0 : i32
    %mul3A_1 = arith.constant 256 : i32
    %mul3A_2 = arith.muli %add3A, %mul3A_1 : i32
    "tpu.region"() ({
      %run_scoped3A = tpu.sem_alloc : memref<!tpu.dma_semaphore, #tpu.memory_space<semaphore_mem>>
      tpu.enqueue_dma source(%arg4 : memref<34816xf32, #tpu.memory_space<hbm>>) target(%arg6 : memref<34816xf32, #tpu.memory_space<vmem>>) target_semaphore(%run_scoped3A : memref<!tpu.dma_semaphore, #tpu.memory_space<semaphore_mem>>)
      tpu.wait_dma2 semaphore(%run_scoped3A : memref<!tpu.dma_semaphore, #tpu.memory_space<semaphore_mem>>) src(%arg4 : memref<34816xf32, #tpu.memory_space<hbm>>) dst(%arg6 : memref<34816xf32, #tpu.memory_space<vmem>>)
      tpu.yield
    }) : () -> ()
    %mul3A_3 = arith.constant 16 : i32
    %mul3A_4 = arith.muli %mul3A_2, %mul3A_3 : i32
    "tpu.region"() ({
      %run_scoped3A = tpu.sem_alloc : memref<!tpu.dma_semaphore, #tpu.memory_space<semaphore_mem>>
      %dma_start3A_68 = tpu.memref_slice %arg3[%mul3A_4] : memref<131072xi32, #tpu.memory_space<hbm>> -> memref<4096xi32, #tpu.memory_space<hbm>>
      %dma_start3A_69 = tpu.memref_slice %arg3[%mul3A_4] : memref<131072xi32, #tpu.memory_space<hbm>> -> memref<4096xi32, #tpu.memory_space<hbm>>
      tpu.enqueue_dma source(%dma_start3A_69 : memref<4096xi32, #tpu.memory_space<hbm>>) target(%arg7 : memref<4096xi32, #tpu.memory_space<vmem>>) target_semaphore(%run_scoped3A : memref<!tpu.dma_semaphore, #tpu.memory_space<semaphore_mem>>)
      %dma_wait3A_70 = tpu.memref_slice %arg3[%mul3A_4] : memref<131072xi32, #tpu.memory_space<hbm>> -> memref<4096xi32, #tpu.memory_space<hbm>>
      %dma_wait3A_71 = tpu.memref_slice %arg3[%mul3A_4] : memref<131072xi32, #tpu.memory_space<hbm>> -> memref<4096xi32, #tpu.memory_space<hbm>>
      tpu.wait_dma2 semaphore(%run_scoped3A : memref<!tpu.dma_semaphore, #tpu.memory_space<semaphore_mem>>) src(%dma_wait3A_71 : memref<4096xi32, #tpu.memory_space<hbm>>) dst(%arg7 : memref<4096xi32, #tpu.memory_space<vmem>>)
      tpu.yield
    }) : () -> ()
    %iota3A = tpu.iota {dimensions = array<i32: 0>} : vector<16xi32>
    %scan3A = arith.constant 0 : i32
    %scan3A_5 = arith.constant 16 : i32
    %scan3A_6 = arith.addi %scan3A, %scan3A_5 : i32
    %scan3A_7 = arith.constant 1 : i32
    scf.for %scan3A_68 = %scan3A to %scan3A_6 step %scan3A_7  : i32 {
      %mul3A_69 = arith.constant 1 : i32
      %mul3A_70 = arith.muli %scan3A_68, %mul3A_69 : i32
      %add3A_71 = arith.constant 0 : i32
      %add3A_72 = arith.addi %add3A_71, %mul3A_70 : i32
      %mul3A_73 = arith.constant 16 : i32
      %mul3A_74 = arith.muli %add3A_72, %mul3A_73 : i32
      %add3A_75 = vector.broadcast %mul3A_74 : i32 to vector<16xi32>
      %add3A_76 = arith.addi %add3A_75, %iota3A : vector<16xi32>
      %mul3A_77 = arith.constant 16 : i32
      %mul3A_78 = vector.broadcast %mul3A_77 : i32 to vector<16xi32>
      %mul3A_79 = arith.muli %add3A_76, %mul3A_78 : vector<16xi32>
      %broadcast_in_dim3A = arith.constant 0 : i32
      %broadcast_in_dim3A_80 = vector.broadcast %broadcast_in_dim3A : i32 to vector<16xi32>
      %add3A_81 = arith.constant 0 : i32
      %add3A_82 = vector.broadcast %add3A_81 : i32 to vector<16xi32>
      %add3A_83 = arith.addi %mul3A_79, %add3A_82 : vector<16xi32>
      %gather3A = tpu.vector_load_idx %arg7[%add3A_83] : memref<4096xi32, #tpu.memory_space<vmem>>[vector<16xi32>], vector<16xi32>,
      %eq3A = arith.constant 0 : i32
      %eq3A_84 = vector.broadcast %eq3A : i32 to vector<16xi32>
      %eq3A_85 = arith.cmpi eq, %gather3A, %eq3A_84 : vector<16xi32>
      %jit3A = arith.constant 1 : i32
      %jit3A_86 = arith.constant 0 : i32
      %broadcast_in_dim3A_87 = vector.broadcast %jit3A : i32 to vector<16xi32>
      %broadcast_in_dim3A_88 = vector.broadcast %jit3A_86 : i32 to vector<16xi32>
      %select_n3A = arith.select %eq3A_85, %broadcast_in_dim3A_87, %broadcast_in_dim3A_88 : vector<16xi1>, vector<16xi32>
      %add3A_89 = arith.addi %broadcast_in_dim3A_80, %select_n3A : vector<16xi32>
      %add3A_90 = arith.constant 1 : i32
      %add3A_91 = vector.broadcast %add3A_90 : i32 to vector<16xi32>
      %add3A_92 = arith.addi %mul3A_79, %add3A_91 : vector<16xi32>
      %gather3A_93 = tpu.vector_load_idx %arg7[%add3A_92] : memref<4096xi32, #tpu.memory_space<vmem>>[vector<16xi32>], vector<16xi32>,
      %eq3A_94 = arith.constant 0 : i32
      %eq3A_95 = vector.broadcast %eq3A_94 : i32 to vector<16xi32>
      %eq3A_96 = arith.cmpi eq, %gather3A_93, %eq3A_95 : vector<16xi32>
      %jit3A_97 = arith.constant 1 : i32
      %jit3A_98 = arith.constant 0 : i32
      %broadcast_in_dim3A_99 = vector.broadcast %jit3A_97 : i32 to vector<16xi32>
      %broadcast_in_dim3A_100 = vector.broadcast %jit3A_98 : i32 to vector<16xi32>
      %select_n3A_101 = arith.select %eq3A_96, %broadcast_in_dim3A_99, %broadcast_in_dim3A_100 : vector<16xi1>, vector<16xi32>
      %add3A_102 = arith.addi %add3A_89, %select_n3A_101 : vector<16xi32>
      %add3A_103 = arith.constant 2 : i32
      %add3A_104 = vector.broadcast %add3A_103 : i32 to vector<16xi32>
      %add3A_105 = arith.addi %mul3A_79, %add3A_104 : vector<16xi32>
      %gather3A_106 = tpu.vector_load_idx %arg7[%add3A_105] : memref<4096xi32, #tpu.memory_space<vmem>>[vector<16xi32>], vector<16xi32>,
      %eq3A_107 = arith.constant 0 : i32
      %eq3A_108 = vector.broadcast %eq3A_107 : i32 to vector<16xi32>
      %eq3A_109 = arith.cmpi eq, %gather3A_106, %eq3A_108 : vector<16xi32>
      %jit3A_110 = arith.constant 1 : i32
      %jit3A_111 = arith.constant 0 : i32
      %broadcast_in_dim3A_112 = vector.broadcast %jit3A_110 : i32 to vector<16xi32>
      %broadcast_in_dim3A_113 = vector.broadcast %jit3A_111 : i32 to vector<16xi32>
      %select_n3A_114 = arith.select %eq3A_109, %broadcast_in_dim3A_112, %broadcast_in_dim3A_113 : vector<16xi1>, vector<16xi32>
      %add3A_115 = arith.addi %add3A_102, %select_n3A_114 : vector<16xi32>
      %add3A_116 = arith.constant 3 : i32
      %add3A_117 = vector.broadcast %add3A_116 : i32 to vector<16xi32>
      %add3A_118 = arith.addi %mul3A_79, %add3A_117 : vector<16xi32>
      %gather3A_119 = tpu.vector_load_idx %arg7[%add3A_118] : memref<4096xi32, #tpu.memory_space<vmem>>[vector<16xi32>], vector<16xi32>,
      %eq3A_120 = arith.constant 0 : i32
      %eq3A_121 = vector.broadcast %eq3A_120 : i32 to vector<16xi32>
      %eq3A_122 = arith.cmpi eq, %gather3A_119, %eq3A_121 : vector<16xi32>
      %jit3A_123 = arith.constant 1 : i32
      %jit3A_124 = arith.constant 0 : i32
      %broadcast_in_dim3A_125 = vector.broadcast %jit3A_123 : i32 to vector<16xi32>
      %broadcast_in_dim3A_126 = vector.broadcast %jit3A_124 : i32 to vector<16xi32>
      %select_n3A_127 = arith.select %eq3A_122, %broadcast_in_dim3A_125, %broadcast_in_dim3A_126 : vector<16xi1>, vector<16xi32>
      %add3A_128 = arith.addi %add3A_115, %select_n3A_127 : vector<16xi32>
      %add3A_129 = arith.constant 4 : i32
      %add3A_130 = vector.broadcast %add3A_129 : i32 to vector<16xi32>
      %add3A_131 = arith.addi %mul3A_79, %add3A_130 : vector<16xi32>
      %gather3A_132 = tpu.vector_load_idx %arg7[%add3A_131] : memref<4096xi32, #tpu.memory_space<vmem>>[vector<16xi32>], vector<16xi32>,
      %eq3A_133 = arith.constant 0 : i32
      %eq3A_134 = vector.broadcast %eq3A_133 : i32 to vector<16xi32>
      %eq3A_135 = arith.cmpi eq, %gather3A_132, %eq3A_134 : vector<16xi32>
      %jit3A_136 = arith.constant 1 : i32
      %jit3A_137 = arith.constant 0 : i32
      %broadcast_in_dim3A_138 = vector.broadcast %jit3A_136 : i32 to vector<16xi32>
      %broadcast_in_dim3A_139 = vector.broadcast %jit3A_137 : i32 to vector<16xi32>
      %select_n3A_140 = arith.select %eq3A_135, %broadcast_in_dim3A_138, %broadcast_in_dim3A_139 : vector<16xi1>, vector<16xi32>
      %add3A_141 = arith.addi %add3A_128, %select_n3A_140 : vector<16xi32>
      %add3A_142 = arith.constant 5 : i32
      %add3A_143 = vector.broadcast %add3A_142 : i32 to vector<16xi32>
      %add3A_144 = arith.addi %mul3A_79, %add3A_143 : vector<16xi32>
      %gather3A_145 = tpu.vector_load_idx %arg7[%add3A_144] : memref<4096xi32, #tpu.memory_space<vmem>>[vector<16xi32>], vector<16xi32>,
      %eq3A_146 = arith.constant 0 : i32
      %eq3A_147 = vector.broadcast %eq3A_146 : i32 to vector<16xi32>
      %eq3A_148 = arith.cmpi eq, %gather3A_145, %eq3A_147 : vector<16xi32>
      %jit3A_149 = arith.constant 1 : i32
      %jit3A_150 = arith.constant 0 : i32
      %broadcast_in_dim3A_151 = vector.broadcast %jit3A_149 : i32 to vector<16xi32>
      %broadcast_in_dim3A_152 = vector.broadcast %jit3A_150 : i32 to vector<16xi32>
      %select_n3A_153 = arith.select %eq3A_148, %broadcast_in_dim3A_151, %broadcast_in_dim3A_152 : vector<16xi1>, vector<16xi32>
      %add3A_154 = arith.addi %add3A_141, %select_n3A_153 : vector<16xi32>
      %add3A_155 = arith.constant 6 : i32
      %add3A_156 = vector.broadcast %add3A_155 : i32 to vector<16xi32>
      %add3A_157 = arith.addi %mul3A_79, %add3A_156 : vector<16xi32>
      %gather3A_158 = tpu.vector_load_idx %arg7[%add3A_157] : memref<4096xi32, #tpu.memory_space<vmem>>[vector<16xi32>], vector<16xi32>,
      %eq3A_159 = arith.constant 0 : i32
      %eq3A_160 = vector.broadcast %eq3A_159 : i32 to vector<16xi32>
      %eq3A_161 = arith.cmpi eq, %gather3A_158, %eq3A_160 : vector<16xi32>
      %jit3A_162 = arith.constant 1 : i32
      %jit3A_163 = arith.constant 0 : i32
      %broadcast_in_dim3A_164 = vector.broadcast %jit3A_162 : i32 to vector<16xi32>
      %broadcast_in_dim3A_165 = vector.broadcast %jit3A_163 : i32 to vector<16xi32>
      %select_n3A_166 = arith.select %eq3A_161, %broadcast_in_dim3A_164, %broadcast_in_dim3A_165 : vector<16xi1>, vector<16xi32>
      %add3A_167 = arith.addi %add3A_154, %select_n3A_166 : vector<16xi32>
      %add3A_168 = arith.constant 7 : i32
      %add3A_169 = vector.broadcast %add3A_168 : i32 to vector<16xi32>
      %add3A_170 = arith.addi %mul3A_79, %add3A_169 : vector<16xi32>
      %gather3A_171 = tpu.vector_load_idx %arg7[%add3A_170] : memref<4096xi32, #tpu.memory_space<vmem>>[vector<16xi32>], vector<16xi32>,
      %eq3A_172 = arith.constant 0 : i32
      %eq3A_173 = vector.broadcast %eq3A_172 : i32 to vector<16xi32>
      %eq3A_174 = arith.cmpi eq, %gather3A_171, %eq3A_173 : vector<16xi32>
      %jit3A_175 = arith.constant 1 : i32
      %jit3A_176 = arith.constant 0 : i32
      %broadcast_in_dim3A_177 = vector.broadcast %jit3A_175 : i32 to vector<16xi32>
      %broadcast_in_dim3A_178 = vector.broadcast %jit3A_176 : i32 to vector<16xi32>
      %select_n3A_179 = arith.select %eq3A_174, %broadcast_in_dim3A_177, %broadcast_in_dim3A_178 : vector<16xi1>, vector<16xi32>
      %add3A_180 = arith.addi %add3A_167, %select_n3A_179 : vector<16xi32>
      %add3A_181 = arith.constant 8 : i32
      %add3A_182 = vector.broadcast %add3A_181 : i32 to vector<16xi32>
      %add3A_183 = arith.addi %mul3A_79, %add3A_182 : vector<16xi32>
      %gather3A_184 = tpu.vector_load_idx %arg7[%add3A_183] : memref<4096xi32, #tpu.memory_space<vmem>>[vector<16xi32>], vector<16xi32>,
      %eq3A_185 = arith.constant 0 : i32
      %eq3A_186 = vector.broadcast %eq3A_185 : i32 to vector<16xi32>
      %eq3A_187 = arith.cmpi eq, %gather3A_184, %eq3A_186 : vector<16xi32>
      %jit3A_188 = arith.constant 1 : i32
      %jit3A_189 = arith.constant 0 : i32
      %broadcast_in_dim3A_190 = vector.broadcast %jit3A_188 : i32 to vector<16xi32>
      %broadcast_in_dim3A_191 = vector.broadcast %jit3A_189 : i32 to vector<16xi32>
      %select_n3A_192 = arith.select %eq3A_187, %broadcast_in_dim3A_190, %broadcast_in_dim3A_191 : vector<16xi1>, vector<16xi32>
      %add3A_193 = arith.addi %add3A_180, %select_n3A_192 : vector<16xi32>
      %add3A_194 = arith.constant 9 : i32
      %add3A_195 = vector.broadcast %add3A_194 : i32 to vector<16xi32>
      %add3A_196 = arith.addi %mul3A_79, %add3A_195 : vector<16xi32>
      %gather3A_197 = tpu.vector_load_idx %arg7[%add3A_196] : memref<4096xi32, #tpu.memory_space<vmem>>[vector<16xi32>], vector<16xi32>,
      %eq3A_198 = arith.constant 0 : i32
      %eq3A_199 = vector.broadcast %eq3A_198 : i32 to vector<16xi32>
      %eq3A_200 = arith.cmpi eq, %gather3A_197, %eq3A_199 : vector<16xi32>
      %jit3A_201 = arith.constant 1 : i32
      %jit3A_202 = arith.constant 0 : i32
      %broadcast_in_dim3A_203 = vector.broadcast %jit3A_201 : i32 to vector<16xi32>
      %broadcast_in_dim3A_204 = vector.broadcast %jit3A_202 : i32 to vector<16xi32>
      %select_n3A_205 = arith.select %eq3A_200, %broadcast_in_dim3A_203, %broadcast_in_dim3A_204 : vector<16xi1>, vector<16xi32>
      %add3A_206 = arith.addi %add3A_193, %select_n3A_205 : vector<16xi32>
      %add3A_207 = arith.constant 10 : i32
      %add3A_208 = vector.broadcast %add3A_207 : i32 to vector<16xi32>
      %add3A_209 = arith.addi %mul3A_79, %add3A_208 : vector<16xi32>
      %gather3A_210 = tpu.vector_load_idx %arg7[%add3A_209] : memref<4096xi32, #tpu.memory_space<vmem>>[vector<16xi32>], vector<16xi32>,
      %eq3A_211 = arith.constant 0 : i32
      %eq3A_212 = vector.broadcast %eq3A_211 : i32 to vector<16xi32>
      %eq3A_213 = arith.cmpi eq, %gather3A_210, %eq3A_212 : vector<16xi32>
      %jit3A_214 = arith.constant 1 : i32
      %jit3A_215 = arith.constant 0 : i32
      %broadcast_in_dim3A_216 = vector.broadcast %jit3A_214 : i32 to vector<16xi32>
      %broadcast_in_dim3A_217 = vector.broadcast %jit3A_215 : i32 to vector<16xi32>
      %select_n3A_218 = arith.select %eq3A_213, %broadcast_in_dim3A_216, %broadcast_in_dim3A_217 : vector<16xi1>, vector<16xi32>
      %add3A_219 = arith.addi %add3A_206, %select_n3A_218 : vector<16xi32>
      %add3A_220 = arith.constant 11 : i32
      %add3A_221 = vector.broadcast %add3A_220 : i32 to vector<16xi32>
      %add3A_222 = arith.addi %mul3A_79, %add3A_221 : vector<16xi32>
      %gather3A_223 = tpu.vector_load_idx %arg7[%add3A_222] : memref<4096xi32, #tpu.memory_space<vmem>>[vector<16xi32>], vector<16xi32>,
      %eq3A_224 = arith.constant 0 : i32
      %eq3A_225 = vector.broadcast %eq3A_224 : i32 to vector<16xi32>
      %eq3A_226 = arith.cmpi eq, %gather3A_223, %eq3A_225 : vector<16xi32>
      %jit3A_227 = arith.constant 1 : i32
      %jit3A_228 = arith.constant 0 : i32
      %broadcast_in_dim3A_229 = vector.broadcast %jit3A_227 : i32 to vector<16xi32>
      %broadcast_in_dim3A_230 = vector.broadcast %jit3A_228 : i32 to vector<16xi32>
      %select_n3A_231 = arith.select %eq3A_226, %broadcast_in_dim3A_229, %broadcast_in_dim3A_230 : vector<16xi1>, vector<16xi32>
      %add3A_232 = arith.addi %add3A_219, %select_n3A_231 : vector<16xi32>
      %add3A_233 = arith.constant 12 : i32
      %add3A_234 = vector.broadcast %add3A_233 : i32 to vector<16xi32>
      %add3A_235 = arith.addi %mul3A_79, %add3A_234 : vector<16xi32>
      %gather3A_236 = tpu.vector_load_idx %arg7[%add3A_235] : memref<4096xi32, #tpu.memory_space<vmem>>[vector<16xi32>], vector<16xi32>,
      %eq3A_237 = arith.constant 0 : i32
      %eq3A_238 = vector.broadcast %eq3A_237 : i32 to vector<16xi32>
      %eq3A_239 = arith.cmpi eq, %gather3A_236, %eq3A_238 : vector<16xi32>
      %jit3A_240 = arith.constant 1 : i32
      %jit3A_241 = arith.constant 0 : i32
      %broadcast_in_dim3A_242 = vector.broadcast %jit3A_240 : i32 to vector<16xi32>
      %broadcast_in_dim3A_243 = vector.broadcast %jit3A_241 : i32 to vector<16xi32>
      %select_n3A_244 = arith.select %eq3A_239, %broadcast_in_dim3A_242, %broadcast_in_dim3A_243 : vector<16xi1>, vector<16xi32>
      %add3A_245 = arith.addi %add3A_232, %select_n3A_244 : vector<16xi32>
      %add3A_246 = arith.constant 13 : i32
      %add3A_247 = vector.broadcast %add3A_246 : i32 to vector<16xi32>
      %add3A_248 = arith.addi %mul3A_79, %add3A_247 : vector<16xi32>
      %gather3A_249 = tpu.vector_load_idx %arg7[%add3A_248] : memref<4096xi32, #tpu.memory_space<vmem>>[vector<16xi32>], vector<16xi32>,
      %eq3A_250 = arith.constant 0 : i32
      %eq3A_251 = vector.broadcast %eq3A_250 : i32 to vector<16xi32>
      %eq3A_252 = arith.cmpi eq, %gather3A_249, %eq3A_251 : vector<16xi32>
      %jit3A_253 = arith.constant 1 : i32
      %jit3A_254 = arith.constant 0 : i32
      %broadcast_in_dim3A_255 = vector.broadcast %jit3A_253 : i32 to vector<16xi32>
      %broadcast_in_dim3A_256 = vector.broadcast %jit3A_254 : i32 to vector<16xi32>
      %select_n3A_257 = arith.select %eq3A_252, %broadcast_in_dim3A_255, %broadcast_in_dim3A_256 : vector<16xi1>, vector<16xi32>
      %add3A_258 = arith.addi %add3A_245, %select_n3A_257 : vector<16xi32>
      %add3A_259 = arith.constant 14 : i32
      %add3A_260 = vector.broadcast %add3A_259 : i32 to vector<16xi32>
      %add3A_261 = arith.addi %mul3A_79, %add3A_260 : vector<16xi32>
      %gather3A_262 = tpu.vector_load_idx %arg7[%add3A_261] : memref<4096xi32, #tpu.memory_space<vmem>>[vector<16xi32>], vector<16xi32>,
      %eq3A_263 = arith.constant 0 : i32
      %eq3A_264 = vector.broadcast %eq3A_263 : i32 to vector<16xi32>
      %eq3A_265 = arith.cmpi eq, %gather3A_262, %eq3A_264 : vector<16xi32>
      %jit3A_266 = arith.constant 1 : i32
      %jit3A_267 = arith.constant 0 : i32
      %broadcast_in_dim3A_268 = vector.broadcast %jit3A_266 : i32 to vector<16xi32>
      %broadcast_in_dim3A_269 = vector.broadcast %jit3A_267 : i32 to vector<16xi32>
      %select_n3A_270 = arith.select %eq3A_265, %broadcast_in_dim3A_268, %broadcast_in_dim3A_269 : vector<16xi1>, vector<16xi32>
      %add3A_271 = arith.addi %add3A_258, %select_n3A_270 : vector<16xi32>
      %add3A_272 = arith.constant 15 : i32
      %add3A_273 = vector.broadcast %add3A_272 : i32 to vector<16xi32>
      %add3A_274 = arith.addi %mul3A_79, %add3A_273 : vector<16xi32>
      %gather3A_275 = tpu.vector_load_idx %arg7[%add3A_274] : memref<4096xi32, #tpu.memory_space<vmem>>[vector<16xi32>], vector<16xi32>,
      %eq3A_276 = arith.constant 0 : i32
      %eq3A_277 = vector.broadcast %eq3A_276 : i32 to vector<16xi32>
      %eq3A_278 = arith.cmpi eq, %gather3A_275, %eq3A_277 : vector<16xi32>
      %jit3A_279 = arith.constant 1 : i32
      %jit3A_280 = arith.constant 0 : i32
      %broadcast_in_dim3A_281 = vector.broadcast %jit3A_279 : i32 to vector<16xi32>
      %broadcast_in_dim3A_282 = vector.broadcast %jit3A_280 : i32 to vector<16xi32>
      %select_n3A_283 = arith.select %eq3A_278, %broadcast_in_dim3A_281, %broadcast_in_dim3A_282 : vector<16xi1>, vector<16xi32>
      %add3A_284 = arith.addi %add3A_271, %select_n3A_283 : vector<16xi32>
      %mul3A_285 = arith.constant 2048 : i32
      %mul3A_286 = vector.broadcast %mul3A_285 : i32 to vector<16xi32>
      %mul3A_287 = arith.muli %add3A_284, %mul3A_286 : vector<16xi32>
      %mul3A_288 = arith.constant 16 : i32
      %mul3A_289 = arith.muli %add3A_72, %mul3A_288 : i32
      %swap3A = arith.index_cast %mul3A_289 : i32 to index
      %swap3A_290 = tpu.vector_load %arg8[%swap3A] {strides = array<i32>} : memref<256xi32, #tpu.memory_space<vmem>>, vector<16xi32>,
      tpu.vector_store %arg8[%swap3A], %mul3A_287 {strides = array<i32>} : memref<256xi32, #tpu.memory_space<vmem>>, vector<16xi32>,
    }
    %scan3A_8 = arith.constant 16 : i32
    %add3A_9 = arith.constant 0 : i32
    %add3A_10 = arith.addi %mul3A_2, %add3A_9 : i32
    %mul3A_11 = arith.constant 2048 : i32
    %mul3A_12 = arith.muli %add3A_10, %mul3A_11 : i32
    %dma_start3A = arith.constant 0 : i32
    %dma_start3A_13 = arith.constant 0 : i32
    %dma_start3A_14 = arith.constant 0 : i32
    %dma_start3A_15 = tpu.memref_slice %arg13[%dma_start3A, %dma_start3A_13, %dma_start3A_14] : memref<2x16x8192xf32, #tpu.memory_space<vmem_shared>> -> memref<1x16x8192xf32, #tpu.memory_space<vmem_shared>>
    %dma_start3A_16 = tpu.memref_squeeze %dma_start3A_15 : memref<1x16x8192xf32, #tpu.memory_space<vmem_shared>> -> memref<16x8192xf32, #tpu.memory_space<vmem_shared>>
    %dma_start3A_17 = arith.constant 0 : i32
    %dma_start3A_18 = tpu.memref_slice %dma_start3A_16[%arg1, %dma_start3A_17] : memref<16x8192xf32, #tpu.memory_space<vmem_shared>> -> memref<1x8192xf32, #tpu.memory_space<vmem_shared>>
    %dma_start3A_19 = tpu.memref_squeeze %dma_start3A_18 : memref<1x8192xf32, #tpu.memory_space<vmem_shared>> -> memref<8192xf32, #tpu.memory_space<vmem_shared>>
    %dma_start3A_20 = tpu.memref_slice %arg2[%mul3A_12] : memref<16777216xf32, #tpu.memory_space<hbm>> -> memref<8192xf32, #tpu.memory_space<hbm>>
    tpu.enqueue_dma source(%dma_start3A_20 : memref<8192xf32, #tpu.memory_space<hbm>>) target(%dma_start3A_19 : memref<8192xf32, #tpu.memory_space<vmem_shared>>) target_semaphore(%arg15 : memref<!tpu.dma_semaphore, #tpu.memory_space<semaphore_mem>>)
    %add3A_21 = arith.constant 4 : i32
    %add3A_22 = arith.addi %mul3A_2, %add3A_21 : i32
    %mul3A_23 = arith.constant 2048 : i32
    %mul3A_24 = arith.muli %add3A_22, %mul3A_23 : i32
    %dma_start3A_25 = arith.constant 1 : i32
    %dma_start3A_26 = arith.constant 0 : i32
    %dma_start3A_27 = arith.constant 0 : i32
    %dma_start3A_28 = tpu.memref_slice %arg13[%dma_start3A_25, %dma_start3A_26, %dma_start3A_27] : memref<2x16x8192xf32, #tpu.memory_space<vmem_shared>> -> memref<1x16x8192xf32, #tpu.memory_space<vmem_shared>>
    %dma_start3A_29 = tpu.memref_squeeze %dma_start3A_28 : memref<1x16x8192xf32, #tpu.memory_space<vmem_shared>> -> memref<16x8192xf32, #tpu.memory_space<vmem_shared>>
    %dma_start3A_30 = arith.constant 0 : i32
    %dma_start3A_31 = tpu.memref_slice %dma_start3A_29[%arg1, %dma_start3A_30] : memref<16x8192xf32, #tpu.memory_space<vmem_shared>> -> memref<1x8192xf32, #tpu.memory_space<vmem_shared>>
    %dma_start3A_32 = tpu.memref_squeeze %dma_start3A_31 : memref<1x8192xf32, #tpu.memory_space<vmem_shared>> -> memref<8192xf32, #tpu.memory_space<vmem_shared>>
    %dma_start3A_33 = tpu.memref_slice %arg2[%mul3A_24] : memref<16777216xf32, #tpu.memory_space<hbm>> -> memref<8192xf32, #tpu.memory_space<hbm>>
    tpu.enqueue_dma source(%dma_start3A_33 : memref<8192xf32, #tpu.memory_space<hbm>>) target(%dma_start3A_32 : memref<8192xf32, #tpu.memory_space<vmem_shared>>) target_semaphore(%arg16 : memref<!tpu.dma_semaphore, #tpu.memory_space<semaphore_mem>>)
    %scan3A_34 = arith.constant 0 : i32
    %scan3A_35 = arith.constant 1 : i32
    %scan3A_36 = arith.constant 1 : i32
    %scan3A_37 = arith.constant 0 : i32
    %scan3A_38 = arith.constant 0 : i32
    %scan3A_39 = arith.constant 33 : i32
    %scan3A_40 = arith.addi %scan3A_38, %scan3A_39 : i32
    %scan3A_41 = arith.constant 1 : i32
    scf.for %scan3A_68 = %scan3A_38 to %scan3A_40 step %scan3A_41  : i32 {
      %mul3A_69 = arith.constant 2 : i32
      %mul3A_70 = arith.muli %scan3A_68, %mul3A_69 : i32
      %add3A_71 = arith.constant 0 : i32
      %add3A_72 = arith.addi %add3A_71, %mul3A_70 : i32
      %add3A_73 = arith.constant 0 : i32
      %add3A_74 = arith.addi %add3A_72, %add3A_73 : i32
      %lt3A = arith.constant 64 : i32
      %lt3A_75 = arith.cmpi slt, %add3A_74, %lt3A : i32
      %convert_element_type3A = arith.extui %lt3A_75 : i1 to i32
      %cond3A = arith.constant 0 : i32
      %cond3A_76 = arith.cmpi ne, %convert_element_type3A, %cond3A : i32
      scf.if %cond3A_76 {
        %mul3A_113 = arith.constant 4 : i32
        %mul3A_114 = arith.muli %add3A_74, %mul3A_113 : i32
        %add3A_115 = arith.addi %mul3A_2, %mul3A_114 : i32
        %mul3A_116 = arith.constant 2048 : i32
        %mul3A_117 = arith.muli %add3A_115, %mul3A_116 : i32
        %dma_wait3A_118 = arith.constant 0 : i32
        %dma_wait3A_119 = arith.constant 0 : i32
        %dma_wait3A_120 = tpu.memref_slice %arg13[%scan3A_34, %dma_wait3A_118, %dma_wait3A_119] : memref<2x16x8192xf32, #tpu.memory_space<vmem_shared>> -> memref<1x16x8192xf32, #tpu.memory_space<vmem_shared>>
        %dma_wait3A_121 = tpu.memref_squeeze %dma_wait3A_120 : memref<1x16x8192xf32, #tpu.memory_space<vmem_shared>> -> memref<16x8192xf32, #tpu.memory_space<vmem_shared>>
        %dma_wait3A_122 = arith.constant 0 : i32
        %dma_wait3A_123 = tpu.memref_slice %dma_wait3A_121[%arg1, %dma_wait3A_122] : memref<16x8192xf32, #tpu.memory_space<vmem_shared>> -> memref<1x8192xf32, #tpu.memory_space<vmem_shared>>
        %dma_wait3A_124 = tpu.memref_squeeze %dma_wait3A_123 : memref<1x8192xf32, #tpu.memory_space<vmem_shared>> -> memref<8192xf32, #tpu.memory_space<vmem_shared>>
        %dma_wait3A_125 = tpu.memref_slice %arg2[%mul3A_117] : memref<16777216xf32, #tpu.memory_space<hbm>> -> memref<8192xf32, #tpu.memory_space<hbm>>
        tpu.wait_dma2 semaphore(%arg15 : memref<!tpu.dma_semaphore, #tpu.memory_space<semaphore_mem>>) src(%dma_wait3A_125 : memref<8192xf32, #tpu.memory_space<hbm>>) dst(%dma_wait3A_124 : memref<8192xf32, #tpu.memory_space<vmem_shared>>)
        %dma_start3A_126 = arith.constant 0 : i32
        %dma_start3A_127 = arith.constant 0 : i32
        %dma_start3A_128 = tpu.memref_slice %arg13[%scan3A_34, %dma_start3A_126, %dma_start3A_127] : memref<2x16x8192xf32, #tpu.memory_space<vmem_shared>> -> memref<1x16x8192xf32, #tpu.memory_space<vmem_shared>>
        %dma_start3A_129 = tpu.memref_squeeze %dma_start3A_128 : memref<1x16x8192xf32, #tpu.memory_space<vmem_shared>> -> memref<16x8192xf32, #tpu.memory_space<vmem_shared>>
        %dma_start3A_130 = arith.constant 0 : i32
        %dma_start3A_131 = tpu.memref_slice %dma_start3A_129[%arg1, %dma_start3A_130] : memref<16x8192xf32, #tpu.memory_space<vmem_shared>> -> memref<1x8192xf32, #tpu.memory_space<vmem_shared>>
        %dma_start3A_132 = tpu.memref_squeeze %dma_start3A_131 : memref<1x8192xf32, #tpu.memory_space<vmem_shared>> -> memref<8192xf32, #tpu.memory_space<vmem_shared>>
        %dma_start3A_133 = arith.constant 0 : i32
        %dma_start3A_134 = arith.constant 0 : i32
        %dma_start3A_135 = tpu.memref_slice %arg13[%scan3A_34, %dma_start3A_133, %dma_start3A_134] : memref<2x16x8192xf32, #tpu.memory_space<vmem_shared>> -> memref<1x16x8192xf32, #tpu.memory_space<vmem_shared>>
        %dma_start3A_136 = tpu.memref_squeeze %dma_start3A_135 : memref<1x16x8192xf32, #tpu.memory_space<vmem_shared>> -> memref<16x8192xf32, #tpu.memory_space<vmem_shared>>
        %dma_start3A_137 = arith.constant 0 : i32
        %dma_start3A_138 = tpu.memref_slice %dma_start3A_136[%arg1, %dma_start3A_137] : memref<16x8192xf32, #tpu.memory_space<vmem_shared>> -> memref<1x8192xf32, #tpu.memory_space<vmem_shared>>
        %dma_start3A_139 = tpu.memref_squeeze %dma_start3A_138 : memref<1x8192xf32, #tpu.memory_space<vmem_shared>> -> memref<8192xf32, #tpu.memory_space<vmem_shared>>
        tpu.enqueue_dma source(%dma_start3A_139 : memref<8192xf32, #tpu.memory_space<vmem_shared>>) target(%arg9 : memref<8192xf32, #tpu.memory_space<vmem>>) target_semaphore(%arg17 : memref<!tpu.dma_semaphore, #tpu.memory_space<semaphore_mem>>)
      } else {
      }
      %ge3A = arith.constant 1 : i32
      %ge3A_77 = arith.cmpi sge, %add3A_74, %ge3A : i32
      %le3A = arith.constant 64 : i32
      %le3A_78 = arith.cmpi sle, %add3A_74, %le3A : i32
      %and3A = arith.andi %ge3A_77, %le3A_78 : i1
      %convert_element_type3A_79 = arith.extui %and3A : i1 to i32
      %cond3A_80 = arith.constant 0 : i32
      %cond3A_81 = arith.cmpi ne, %convert_element_type3A_79, %cond3A_80 : i32
      scf.if %cond3A_81 {
        %dma_wait3A_113 = arith.constant 0 : i32
        %dma_wait3A_114 = arith.constant 0 : i32
        %dma_wait3A_115 = tpu.memref_slice %arg13[%scan3A_35, %dma_wait3A_113, %dma_wait3A_114] : memref<2x16x8192xf32, #tpu.memory_space<vmem_shared>> -> memref<1x16x8192xf32, #tpu.memory_space<vmem_shared>>
        %dma_wait3A_116 = tpu.memref_squeeze %dma_wait3A_115 : memref<1x16x8192xf32, #tpu.memory_space<vmem_shared>> -> memref<16x8192xf32, #tpu.memory_space<vmem_shared>>
        %dma_wait3A_117 = arith.constant 0 : i32
        %dma_wait3A_118 = tpu.memref_slice %dma_wait3A_116[%arg1, %dma_wait3A_117] : memref<16x8192xf32, #tpu.memory_space<vmem_shared>> -> memref<1x8192xf32, #tpu.memory_space<vmem_shared>>
        %dma_wait3A_119 = tpu.memref_squeeze %dma_wait3A_118 : memref<1x8192xf32, #tpu.memory_space<vmem_shared>> -> memref<8192xf32, #tpu.memory_space<vmem_shared>>
        %dma_wait3A_120 = arith.constant 0 : i32
        %dma_wait3A_121 = arith.constant 0 : i32
        %dma_wait3A_122 = tpu.memref_slice %arg13[%scan3A_35, %dma_wait3A_120, %dma_wait3A_121] : memref<2x16x8192xf32, #tpu.memory_space<vmem_shared>> -> memref<1x16x8192xf32, #tpu.memory_space<vmem_shared>>
        %dma_wait3A_123 = tpu.memref_squeeze %dma_wait3A_122 : memref<1x16x8192xf32, #tpu.memory_space<vmem_shared>> -> memref<16x8192xf32, #tpu.memory_space<vmem_shared>>
        %dma_wait3A_124 = arith.constant 0 : i32
        %dma_wait3A_125 = tpu.memref_slice %dma_wait3A_123[%arg1, %dma_wait3A_124] : memref<16x8192xf32, #tpu.memory_space<vmem_shared>> -> memref<1x8192xf32, #tpu.memory_space<vmem_shared>>
        %dma_wait3A_126 = tpu.memref_squeeze %dma_wait3A_125 : memref<1x8192xf32, #tpu.memory_space<vmem_shared>> -> memref<8192xf32, #tpu.memory_space<vmem_shared>>
        tpu.wait_dma2 semaphore(%arg18 : memref<!tpu.dma_semaphore, #tpu.memory_space<semaphore_mem>>) src(%dma_wait3A_126 : memref<8192xf32, #tpu.memory_space<vmem_shared>>) dst(%arg10 : memref<8192xf32, #tpu.memory_space<vmem>>)
        %add3A_127 = arith.constant 1 : i32
        %add3A_128 = arith.addi %add3A_74, %add3A_127 : i32
        %lt3A_129 = arith.constant 64 : i32
        %lt3A_130 = arith.cmpi slt, %add3A_128, %lt3A_129 : i32
        %convert_element_type3A_131 = arith.extui %lt3A_130 : i1 to i32
        %cond3A_132 = arith.constant 0 : i32
        %cond3A_133 = arith.cmpi ne, %convert_element_type3A_131, %cond3A_132 : i32
        scf.if %cond3A_133 {
          %add3A_160 = arith.constant 1 : i32
          %add3A_161 = arith.addi %add3A_74, %add3A_160 : i32
          %mul3A_162 = arith.constant 4 : i32
          %mul3A_163 = arith.muli %add3A_161, %mul3A_162 : i32
          %add3A_164 = arith.addi %mul3A_2, %mul3A_163 : i32
          %mul3A_165 = arith.constant 2048 : i32
          %mul3A_166 = arith.muli %add3A_164, %mul3A_165 : i32
          %dma_start3A_167 = arith.constant 0 : i32
          %dma_start3A_168 = arith.constant 0 : i32
          %dma_start3A_169 = tpu.memref_slice %arg13[%scan3A_35, %dma_start3A_167, %dma_start3A_168] : memref<2x16x8192xf32, #tpu.memory_space<vmem_shared>> -> memref<1x16x8192xf32, #tpu.memory_space<vmem_shared>>
          %dma_start3A_170 = tpu.memref_squeeze %dma_start3A_169 : memref<1x16x8192xf32, #tpu.memory_space<vmem_shared>> -> memref<16x8192xf32, #tpu.memory_space<vmem_shared>>
          %dma_start3A_171 = arith.constant 0 : i32
          %dma_start3A_172 = tpu.memref_slice %dma_start3A_170[%arg1, %dma_start3A_171] : memref<16x8192xf32, #tpu.memory_space<vmem_shared>> -> memref<1x8192xf32, #tpu.memory_space<vmem_shared>>
          %dma_start3A_173 = tpu.memref_squeeze %dma_start3A_172 : memref<1x8192xf32, #tpu.memory_space<vmem_shared>> -> memref<8192xf32, #tpu.memory_space<vmem_shared>>
          %dma_start3A_174 = tpu.memref_slice %arg2[%mul3A_166] : memref<16777216xf32, #tpu.memory_space<hbm>> -> memref<8192xf32, #tpu.memory_space<hbm>>
          tpu.enqueue_dma source(%dma_start3A_174 : memref<8192xf32, #tpu.memory_space<hbm>>) target(%dma_start3A_173 : memref<8192xf32, #tpu.memory_space<vmem_shared>>) target_semaphore(%arg16 : memref<!tpu.dma_semaphore, #tpu.memory_space<semaphore_mem>>)
        } else {
        }
        %ge3A_134 = arith.constant 3 : i32
        %ge3A_135 = arith.cmpi sge, %add3A_74, %ge3A_134 : i32
        %convert_element_type3A_136 = arith.extui %ge3A_135 : i1 to i32
        %cond3A_137 = arith.constant 0 : i32
        %cond3A_138 = arith.cmpi ne, %convert_element_type3A_136, %cond3A_137 : i32
        scf.if %cond3A_138 {
          %sub3A_160 = arith.constant 3 : i32
          %sub3A_161 = arith.subi %add3A_74, %sub3A_160 : i32
          %mul3A_162 = arith.constant 4 : i32
          %mul3A_163 = arith.muli %sub3A_161, %mul3A_162 : i32
          %add3A_164 = arith.addi %mul3A_2, %mul3A_163 : i32
          %mul3A_165 = arith.constant 2048 : i32
          %mul3A_166 = arith.muli %add3A_164, %mul3A_165 : i32
          %dma_wait3A_167 = tpu.memref_slice %arg5[%mul3A_166] : memref<16777216xf32, #tpu.memory_space<hbm>> -> memref<8192xf32, #tpu.memory_space<hbm>>
          %dma_wait3A_168 = arith.constant 0 : i32
          %dma_wait3A_169 = arith.constant 0 : i32
          %dma_wait3A_170 = tpu.memref_slice %arg14[%scan3A_36, %dma_wait3A_168, %dma_wait3A_169] : memref<2x16x8192xf32, #tpu.memory_space<vmem_shared>> -> memref<1x16x8192xf32, #tpu.memory_space<vmem_shared>>
          %dma_wait3A_171 = tpu.memref_squeeze %dma_wait3A_170 : memref<1x16x8192xf32, #tpu.memory_space<vmem_shared>> -> memref<16x8192xf32, #tpu.memory_space<vmem_shared>>
          %dma_wait3A_172 = arith.constant 0 : i32
          %dma_wait3A_173 = tpu.memref_slice %dma_wait3A_171[%arg1, %dma_wait3A_172] : memref<16x8192xf32, #tpu.memory_space<vmem_shared>> -> memref<1x8192xf32, #tpu.memory_space<vmem_shared>>
          %dma_wait3A_174 = tpu.memref_squeeze %dma_wait3A_173 : memref<1x8192xf32, #tpu.memory_space<vmem_shared>> -> memref<8192xf32, #tpu.memory_space<vmem_shared>>
          tpu.wait_dma2 semaphore(%arg22 : memref<!tpu.dma_semaphore, #tpu.memory_space<semaphore_mem>>) src(%dma_wait3A_174 : memref<8192xf32, #tpu.memory_space<vmem_shared>>) dst(%dma_wait3A_167 : memref<8192xf32, #tpu.memory_space<hbm>>)
        } else {
        }
        %sub3A = arith.constant 1 : i32
        %sub3A_139 = arith.subi %add3A_74, %sub3A : i32
        %iota3A_140 = tpu.iota {dimensions = array<i32: 0>} : vector<16xi32>
        %scan3A_141 = arith.constant 0 : i32
        %scan3A_142 = arith.constant 4 : i32
        %scan3A_143 = arith.addi %scan3A_141, %scan3A_142 : i32
        %scan3A_144 = arith.constant 1 : i32
        scf.for %scan3A_160 = %scan3A_141 to %scan3A_143 step %scan3A_144  : i32 {
          %mul3A_161 = arith.constant 1 : i32
          %mul3A_162 = arith.muli %scan3A_160, %mul3A_161 : i32
          %add3A_163 = arith.constant 0 : i32
          %add3A_164 = arith.addi %add3A_163, %mul3A_162 : i32
          %mul3A_165 = arith.constant 2048 : i32
          %mul3A_166 = arith.muli %add3A_164, %mul3A_165 : i32
          %mul3A_167 = arith.constant 4 : i32
          %mul3A_168 = arith.muli %sub3A_139, %mul3A_167 : i32
          %add3A_169 = arith.addi %mul3A_168, %add3A_164 : i32
          %broadcast_in_dim3A = vector.broadcast %add3A_169 : i32 to vector<16xi32>
          %gather3A = tpu.vector_load_idx %arg8[%broadcast_in_dim3A] : memref<256xi32, #tpu.memory_space<vmem>>[vector<16xi32>], vector<16xi32>,
          %add3A_170 = arith.addi %gather3A, %iota3A_140 : vector<16xi32>
          %parallel_loop3A = arith.constant 0 : i32
          %parallel_loop3A_171 = arith.constant 128 : i32
          %parallel_loop3A_172 = arith.constant 1 : i32
          scf.for %parallel_loop3A_173 = %parallel_loop3A to %parallel_loop3A_171 step %parallel_loop3A_172  : i32 {
            %parallel_loop3A_174 = arith.constant 16 : i32
            %parallel_loop3A_175 = arith.muli %parallel_loop3A_173, %parallel_loop3A_174 : i32
            %parallel_loop3A_176 = vector.broadcast %parallel_loop3A_175 : i32 to vector<16xi32>
            %parallel_loop3A_177 = arith.addi %add3A_170, %parallel_loop3A_176 : vector<16xi32>
            %parallel_loop3A_178 = tpu.vector_load_idx %arg6[%parallel_loop3A_177] : memref<34816xf32, #tpu.memory_space<vmem>>[vector<16xi32>], vector<16xf32>,
            %parallel_loop3A_179 = arith.constant 16 : i32
            %parallel_loop3A_180 = arith.muli %parallel_loop3A_173, %parallel_loop3A_179 : i32
            %parallel_loop3A_181 = arith.addi %mul3A_166, %parallel_loop3A_180 : i32
            %parallel_loop3A_182 = arith.index_cast %parallel_loop3A_181 : i32 to index
            %parallel_loop3A_183 = tpu.vector_load %arg10[%parallel_loop3A_182] {strides = array<i32>} : memref<8192xf32, #tpu.memory_space<vmem>>, vector<16xf32>,
            %parallel_loop3A_184 = arith.addf %parallel_loop3A_183, %parallel_loop3A_178 : vector<16xf32>
            %parallel_loop3A_185 = arith.index_cast %parallel_loop3A_181 : i32 to index
            %parallel_loop3A_186 = tpu.vector_load %arg12[%parallel_loop3A_185] {strides = array<i32>} : memref<8192xf32, #tpu.memory_space<vmem>>, vector<16xf32>,
            tpu.vector_store %arg12[%parallel_loop3A_185], %parallel_loop3A_184 {strides = array<i32>} : memref<8192xf32, #tpu.memory_space<vmem>>, vector<16xf32>,
          } {sc.loop_unroll_factor = 8 : i64, sc.parallel_access}
        }
        %scan3A_145 = arith.constant 4 : i32
        %dma_start3A_146 = arith.constant 0 : i32
        %dma_start3A_147 = arith.constant 0 : i32
        %dma_start3A_148 = tpu.memref_slice %arg14[%scan3A_36, %dma_start3A_146, %dma_start3A_147] : memref<2x16x8192xf32, #tpu.memory_space<vmem_shared>> -> memref<1x16x8192xf32, #tpu.memory_space<vmem_shared>>
        %dma_start3A_149 = tpu.memref_squeeze %dma_start3A_148 : memref<1x16x8192xf32, #tpu.memory_space<vmem_shared>> -> memref<16x8192xf32, #tpu.memory_space<vmem_shared>>
        %dma_start3A_150 = arith.constant 0 : i32
        %dma_start3A_151 = tpu.memref_slice %dma_start3A_149[%arg1, %dma_start3A_150] : memref<16x8192xf32, #tpu.memory_space<vmem_shared>> -> memref<1x8192xf32, #tpu.memory_space<vmem_shared>>
        %dma_start3A_152 = tpu.memref_squeeze %dma_start3A_151 : memref<1x8192xf32, #tpu.memory_space<vmem_shared>> -> memref<8192xf32, #tpu.memory_space<vmem_shared>>
        %dma_start3A_153 = arith.constant 0 : i32
        %dma_start3A_154 = arith.constant 0 : i32
        %dma_start3A_155 = tpu.memref_slice %arg14[%scan3A_36, %dma_start3A_153, %dma_start3A_154] : memref<2x16x8192xf32, #tpu.memory_space<vmem_shared>> -> memref<1x16x8192xf32, #tpu.memory_space<vmem_shared>>
        %dma_start3A_156 = tpu.memref_squeeze %dma_start3A_155 : memref<1x16x8192xf32, #tpu.memory_space<vmem_shared>> -> memref<16x8192xf32, #tpu.memory_space<vmem_shared>>
        %dma_start3A_157 = arith.constant 0 : i32
        %dma_start3A_158 = tpu.memref_slice %dma_start3A_156[%arg1, %dma_start3A_157] : memref<16x8192xf32, #tpu.memory_space<vmem_shared>> -> memref<1x8192xf32, #tpu.memory_space<vmem_shared>>
        %dma_start3A_159 = tpu.memref_squeeze %dma_start3A_158 : memref<1x8192xf32, #tpu.memory_space<vmem_shared>> -> memref<8192xf32, #tpu.memory_space<vmem_shared>>
        tpu.enqueue_dma source(%arg12 : memref<8192xf32, #tpu.memory_space<vmem>>) target(%dma_start3A_159 : memref<8192xf32, #tpu.memory_space<vmem_shared>>) target_semaphore(%arg20 : memref<!tpu.dma_semaphore, #tpu.memory_space<semaphore_mem>>)
      } else {
      }
      %ge3A_82 = arith.constant 2 : i32
      %ge3A_83 = arith.cmpi sge, %add3A_74, %ge3A_82 : i32
      %le3A_84 = arith.constant 65 : i32
      %le3A_85 = arith.cmpi sle, %add3A_74, %le3A_84 : i32
      %and3A_86 = arith.andi %ge3A_83, %le3A_85 : i1
      %convert_element_type3A_87 = arith.extui %and3A_86 : i1 to i32
      %cond3A_88 = arith.constant 0 : i32
      %cond3A_89 = arith.cmpi ne, %convert_element_type3A_87, %cond3A_88 : i32
      scf.if %cond3A_89 {
        %dma_wait3A_113 = arith.constant 0 : i32
        %dma_wait3A_114 = arith.constant 0 : i32
        %dma_wait3A_115 = tpu.memref_slice %arg14[%scan3A_37, %dma_wait3A_113, %dma_wait3A_114] : memref<2x16x8192xf32, #tpu.memory_space<vmem_shared>> -> memref<1x16x8192xf32, #tpu.memory_space<vmem_shared>>
        %dma_wait3A_116 = tpu.memref_squeeze %dma_wait3A_115 : memref<1x16x8192xf32, #tpu.memory_space<vmem_shared>> -> memref<16x8192xf32, #tpu.memory_space<vmem_shared>>
        %dma_wait3A_117 = arith.constant 0 : i32
        %dma_wait3A_118 = tpu.memref_slice %dma_wait3A_116[%arg1, %dma_wait3A_117] : memref<16x8192xf32, #tpu.memory_space<vmem_shared>> -> memref<1x8192xf32, #tpu.memory_space<vmem_shared>>
        %dma_wait3A_119 = tpu.memref_squeeze %dma_wait3A_118 : memref<1x8192xf32, #tpu.memory_space<vmem_shared>> -> memref<8192xf32, #tpu.memory_space<vmem_shared>>
        %dma_wait3A_120 = arith.constant 0 : i32
        %dma_wait3A_121 = arith.constant 0 : i32
        %dma_wait3A_122 = tpu.memref_slice %arg14[%scan3A_37, %dma_wait3A_120, %dma_wait3A_121] : memref<2x16x8192xf32, #tpu.memory_space<vmem_shared>> -> memref<1x16x8192xf32, #tpu.memory_space<vmem_shared>>
        %dma_wait3A_123 = tpu.memref_squeeze %dma_wait3A_122 : memref<1x16x8192xf32, #tpu.memory_space<vmem_shared>> -> memref<16x8192xf32, #tpu.memory_space<vmem_shared>>
        %dma_wait3A_124 = arith.constant 0 : i32
        %dma_wait3A_125 = tpu.memref_slice %dma_wait3A_123[%arg1, %dma_wait3A_124] : memref<16x8192xf32, #tpu.memory_space<vmem_shared>> -> memref<1x8192xf32, #tpu.memory_space<vmem_shared>>
        %dma_wait3A_126 = tpu.memref_squeeze %dma_wait3A_125 : memref<1x8192xf32, #tpu.memory_space<vmem_shared>> -> memref<8192xf32, #tpu.memory_space<vmem_shared>>
        tpu.wait_dma2 semaphore(%arg19 : memref<!tpu.dma_semaphore, #tpu.memory_space<semaphore_mem>>) src(%arg11 : memref<8192xf32, #tpu.memory_space<vmem>>) dst(%dma_wait3A_126 : memref<8192xf32, #tpu.memory_space<vmem_shared>>)
        %sub3A = arith.constant 2 : i32
        %sub3A_127 = arith.subi %add3A_74, %sub3A : i32
        %mul3A_128 = arith.constant 4 : i32
        %mul3A_129 = arith.muli %sub3A_127, %mul3A_128 : i32
        %add3A_130 = arith.addi %mul3A_2, %mul3A_129 : i32
        %mul3A_131 = arith.constant 2048 : i32
        %mul3A_132 = arith.muli %add3A_130, %mul3A_131 : i32
        %dma_start3A_133 = tpu.memref_slice %arg5[%mul3A_132] : memref<16777216xf32, #tpu.memory_space<hbm>> -> memref<8192xf32, #tpu.memory_space<hbm>>
        %dma_start3A_134 = arith.constant 0 : i32
        %dma_start3A_135 = arith.constant 0 : i32
        %dma_start3A_136 = tpu.memref_slice %arg14[%scan3A_37, %dma_start3A_134, %dma_start3A_135] : memref<2x16x8192xf32, #tpu.memory_space<vmem_shared>> -> memref<1x16x8192xf32, #tpu.memory_space<vmem_shared>>
        %dma_start3A_137 = tpu.memref_squeeze %dma_start3A_136 : memref<1x16x8192xf32, #tpu.memory_space<vmem_shared>> -> memref<16x8192xf32, #tpu.memory_space<vmem_shared>>
        %dma_start3A_138 = arith.constant 0 : i32
        %dma_start3A_139 = tpu.memref_slice %dma_start3A_137[%arg1, %dma_start3A_138] : memref<16x8192xf32, #tpu.memory_space<vmem_shared>> -> memref<1x8192xf32, #tpu.memory_space<vmem_shared>>
        %dma_start3A_140 = tpu.memref_squeeze %dma_start3A_139 : memref<1x8192xf32, #tpu.memory_space<vmem_shared>> -> memref<8192xf32, #tpu.memory_space<vmem_shared>>
        tpu.enqueue_dma source(%dma_start3A_140 : memref<8192xf32, #tpu.memory_space<vmem_shared>>) target(%dma_start3A_133 : memref<8192xf32, #tpu.memory_space<hbm>>) target_semaphore(%arg21 : memref<!tpu.dma_semaphore, #tpu.memory_space<semaphore_mem>>)
      } else {
      }
      %add3A_90 = arith.constant 1 : i32
      %add3A_91 = arith.addi %add3A_72, %add3A_90 : i32
      %lt3A_92 = arith.constant 64 : i32
      %lt3A_93 = arith.cmpi slt, %add3A_91, %lt3A_92 : i32
      %convert_element_type3A_94 = arith.extui %lt3A_93 : i1 to i32
      %cond3A_95 = arith.constant 0 : i32
      %cond3A_96 = arith.cmpi ne, %convert_element_type3A_94, %cond3A_95 : i32
      scf.if %cond3A_96 {
        %mul3A_113 = arith.constant 4 : i32
        %mul3A_114 = arith.muli %add3A_91, %mul3A_113 : i32
        %add3A_115 = arith.addi %mul3A_2, %mul3A_114 : i32
        %mul3A_116 = arith.constant 2048 : i32
        %mul3A_117 = arith.muli %add3A_115, %mul3A_116 : i32
        %dma_wait3A_118 = arith.constant 0 : i32
        %dma_wait3A_119 = arith.constant 0 : i32
        %dma_wait3A_120 = tpu.memref_slice %arg13[%scan3A_35, %dma_wait3A_118, %dma_wait3A_119] : memref<2x16x8192xf32, #tpu.memory_space<vmem_shared>> -> memref<1x16x8192xf32, #tpu.memory_space<vmem_shared>>
        %dma_wait3A_121 = tpu.memref_squeeze %dma_wait3A_120 : memref<1x16x8192xf32, #tpu.memory_space<vmem_shared>> -> memref<16x8192xf32, #tpu.memory_space<vmem_shared>>
        %dma_wait3A_122 = arith.constant 0 : i32
        %dma_wait3A_123 = tpu.memref_slice %dma_wait3A_121[%arg1, %dma_wait3A_122] : memref<16x8192xf32, #tpu.memory_space<vmem_shared>> -> memref<1x8192xf32, #tpu.memory_space<vmem_shared>>
        %dma_wait3A_124 = tpu.memref_squeeze %dma_wait3A_123 : memref<1x8192xf32, #tpu.memory_space<vmem_shared>> -> memref<8192xf32, #tpu.memory_space<vmem_shared>>
        %dma_wait3A_125 = tpu.memref_slice %arg2[%mul3A_117] : memref<16777216xf32, #tpu.memory_space<hbm>> -> memref<8192xf32, #tpu.memory_space<hbm>>
        tpu.wait_dma2 semaphore(%arg16 : memref<!tpu.dma_semaphore, #tpu.memory_space<semaphore_mem>>) src(%dma_wait3A_125 : memref<8192xf32, #tpu.memory_space<hbm>>) dst(%dma_wait3A_124 : memref<8192xf32, #tpu.memory_space<vmem_shared>>)
        %dma_start3A_126 = arith.constant 0 : i32
        %dma_start3A_127 = arith.constant 0 : i32
        %dma_start3A_128 = tpu.memref_slice %arg13[%scan3A_35, %dma_start3A_126, %dma_start3A_127] : memref<2x16x8192xf32, #tpu.memory_space<vmem_shared>> -> memref<1x16x8192xf32, #tpu.memory_space<vmem_shared>>
        %dma_start3A_129 = tpu.memref_squeeze %dma_start3A_128 : memref<1x16x8192xf32, #tpu.memory_space<vmem_shared>> -> memref<16x8192xf32, #tpu.memory_space<vmem_shared>>
        %dma_start3A_130 = arith.constant 0 : i32
        %dma_start3A_131 = tpu.memref_slice %dma_start3A_129[%arg1, %dma_start3A_130] : memref<16x8192xf32, #tpu.memory_space<vmem_shared>> -> memref<1x8192xf32, #tpu.memory_space<vmem_shared>>
        %dma_start3A_132 = tpu.memref_squeeze %dma_start3A_131 : memref<1x8192xf32, #tpu.memory_space<vmem_shared>> -> memref<8192xf32, #tpu.memory_space<vmem_shared>>
        %dma_start3A_133 = arith.constant 0 : i32
        %dma_start3A_134 = arith.constant 0 : i32
        %dma_start3A_135 = tpu.memref_slice %arg13[%scan3A_35, %dma_start3A_133, %dma_start3A_134] : memref<2x16x8192xf32, #tpu.memory_space<vmem_shared>> -> memref<1x16x8192xf32, #tpu.memory_space<vmem_shared>>
        %dma_start3A_136 = tpu.memref_squeeze %dma_start3A_135 : memref<1x16x8192xf32, #tpu.memory_space<vmem_shared>> -> memref<16x8192xf32, #tpu.memory_space<vmem_shared>>
        %dma_start3A_137 = arith.constant 0 : i32
        %dma_start3A_138 = tpu.memref_slice %dma_start3A_136[%arg1, %dma_start3A_137] : memref<16x8192xf32, #tpu.memory_space<vmem_shared>> -> memref<1x8192xf32, #tpu.memory_space<vmem_shared>>
        %dma_start3A_139 = tpu.memref_squeeze %dma_start3A_138 : memref<1x8192xf32, #tpu.memory_space<vmem_shared>> -> memref<8192xf32, #tpu.memory_space<vmem_shared>>
        tpu.enqueue_dma source(%dma_start3A_139 : memref<8192xf32, #tpu.memory_space<vmem_shared>>) target(%arg10 : memref<8192xf32, #tpu.memory_space<vmem>>) target_semaphore(%arg18 : memref<!tpu.dma_semaphore, #tpu.memory_space<semaphore_mem>>)
      } else {
      }
      %ge3A_97 = arith.constant 1 : i32
      %ge3A_98 = arith.cmpi sge, %add3A_91, %ge3A_97 : i32
      %le3A_99 = arith.constant 64 : i32
      %le3A_100 = arith.cmpi sle, %add3A_91, %le3A_99 : i32
      %and3A_101 = arith.andi %ge3A_98, %le3A_100 : i1
      %convert_element_type3A_102 = arith.extui %and3A_101 : i1 to i32
      %cond3A_103 = arith.constant 0 : i32
      %cond3A_104 = arith.cmpi ne, %convert_element_type3A_102, %cond3A_103 : i32
      scf.if %cond3A_104 {
        %dma_wait3A_113 = arith.constant 0 : i32
        %dma_wait3A_114 = arith.constant 0 : i32
        %dma_wait3A_115 = tpu.memref_slice %arg13[%scan3A_34, %dma_wait3A_113, %dma_wait3A_114] : memref<2x16x8192xf32, #tpu.memory_space<vmem_shared>> -> memref<1x16x8192xf32, #tpu.memory_space<vmem_shared>>
        %dma_wait3A_116 = tpu.memref_squeeze %dma_wait3A_115 : memref<1x16x8192xf32, #tpu.memory_space<vmem_shared>> -> memref<16x8192xf32, #tpu.memory_space<vmem_shared>>
        %dma_wait3A_117 = arith.constant 0 : i32
        %dma_wait3A_118 = tpu.memref_slice %dma_wait3A_116[%arg1, %dma_wait3A_117] : memref<16x8192xf32, #tpu.memory_space<vmem_shared>> -> memref<1x8192xf32, #tpu.memory_space<vmem_shared>>
        %dma_wait3A_119 = tpu.memref_squeeze %dma_wait3A_118 : memref<1x8192xf32, #tpu.memory_space<vmem_shared>> -> memref<8192xf32, #tpu.memory_space<vmem_shared>>
        %dma_wait3A_120 = arith.constant 0 : i32
        %dma_wait3A_121 = arith.constant 0 : i32
        %dma_wait3A_122 = tpu.memref_slice %arg13[%scan3A_34, %dma_wait3A_120, %dma_wait3A_121] : memref<2x16x8192xf32, #tpu.memory_space<vmem_shared>> -> memref<1x16x8192xf32, #tpu.memory_space<vmem_shared>>
        %dma_wait3A_123 = tpu.memref_squeeze %dma_wait3A_122 : memref<1x16x8192xf32, #tpu.memory_space<vmem_shared>> -> memref<16x8192xf32, #tpu.memory_space<vmem_shared>>
        %dma_wait3A_124 = arith.constant 0 : i32
        %dma_wait3A_125 = tpu.memref_slice %dma_wait3A_123[%arg1, %dma_wait3A_124] : memref<16x8192xf32, #tpu.memory_space<vmem_shared>> -> memref<1x8192xf32, #tpu.memory_space<vmem_shared>>
        %dma_wait3A_126 = tpu.memref_squeeze %dma_wait3A_125 : memref<1x8192xf32, #tpu.memory_space<vmem_shared>> -> memref<8192xf32, #tpu.memory_space<vmem_shared>>
        tpu.wait_dma2 semaphore(%arg17 : memref<!tpu.dma_semaphore, #tpu.memory_space<semaphore_mem>>) src(%dma_wait3A_126 : memref<8192xf32, #tpu.memory_space<vmem_shared>>) dst(%arg9 : memref<8192xf32, #tpu.memory_space<vmem>>)
        %add3A_127 = arith.constant 1 : i32
        %add3A_128 = arith.addi %add3A_91, %add3A_127 : i32
        %lt3A_129 = arith.constant 64 : i32
        %lt3A_130 = arith.cmpi slt, %add3A_128, %lt3A_129 : i32
        %convert_element_type3A_131 = arith.extui %lt3A_130 : i1 to i32
        %cond3A_132 = arith.constant 0 : i32
        %cond3A_133 = arith.cmpi ne, %convert_element_type3A_131, %cond3A_132 : i32
        scf.if %cond3A_133 {
          %add3A_160 = arith.constant 1 : i32
          %add3A_161 = arith.addi %add3A_91, %add3A_160 : i32
          %mul3A_162 = arith.constant 4 : i32
          %mul3A_163 = arith.muli %add3A_161, %mul3A_162 : i32
          %add3A_164 = arith.addi %mul3A_2, %mul3A_163 : i32
          %mul3A_165 = arith.constant 2048 : i32
          %mul3A_166 = arith.muli %add3A_164, %mul3A_165 : i32
          %dma_start3A_167 = arith.constant 0 : i32
          %dma_start3A_168 = arith.constant 0 : i32
          %dma_start3A_169 = tpu.memref_slice %arg13[%scan3A_34, %dma_start3A_167, %dma_start3A_168] : memref<2x16x8192xf32, #tpu.memory_space<vmem_shared>> -> memref<1x16x8192xf32, #tpu.memory_space<vmem_shared>>
          %dma_start3A_170 = tpu.memref_squeeze %dma_start3A_169 : memref<1x16x8192xf32, #tpu.memory_space<vmem_shared>> -> memref<16x8192xf32, #tpu.memory_space<vmem_shared>>
          %dma_start3A_171 = arith.constant 0 : i32
          %dma_start3A_172 = tpu.memref_slice %dma_start3A_170[%arg1, %dma_start3A_171] : memref<16x8192xf32, #tpu.memory_space<vmem_shared>> -> memref<1x8192xf32, #tpu.memory_space<vmem_shared>>
          %dma_start3A_173 = tpu.memref_squeeze %dma_start3A_172 : memref<1x8192xf32, #tpu.memory_space<vmem_shared>> -> memref<8192xf32, #tpu.memory_space<vmem_shared>>
          %dma_start3A_174 = tpu.memref_slice %arg2[%mul3A_166] : memref<16777216xf32, #tpu.memory_space<hbm>> -> memref<8192xf32, #tpu.memory_space<hbm>>
          tpu.enqueue_dma source(%dma_start3A_174 : memref<8192xf32, #tpu.memory_space<hbm>>) target(%dma_start3A_173 : memref<8192xf32, #tpu.memory_space<vmem_shared>>) target_semaphore(%arg15 : memref<!tpu.dma_semaphore, #tpu.memory_space<semaphore_mem>>)
        } else {
        }
        %ge3A_134 = arith.constant 3 : i32
        %ge3A_135 = arith.cmpi sge, %add3A_91, %ge3A_134 : i32
        %convert_element_type3A_136 = arith.extui %ge3A_135 : i1 to i32
        %cond3A_137 = arith.constant 0 : i32
        %cond3A_138 = arith.cmpi ne, %convert_element_type3A_136, %cond3A_137 : i32
        scf.if %cond3A_138 {
          %sub3A_160 = arith.constant 3 : i32
          %sub3A_161 = arith.subi %add3A_91, %sub3A_160 : i32
          %mul3A_162 = arith.constant 4 : i32
          %mul3A_163 = arith.muli %sub3A_161, %mul3A_162 : i32
          %add3A_164 = arith.addi %mul3A_2, %mul3A_163 : i32
          %mul3A_165 = arith.constant 2048 : i32
          %mul3A_166 = arith.muli %add3A_164, %mul3A_165 : i32
          %dma_wait3A_167 = tpu.memref_slice %arg5[%mul3A_166] : memref<16777216xf32, #tpu.memory_space<hbm>> -> memref<8192xf32, #tpu.memory_space<hbm>>
          %dma_wait3A_168 = arith.constant 0 : i32
          %dma_wait3A_169 = arith.constant 0 : i32
          %dma_wait3A_170 = tpu.memref_slice %arg14[%scan3A_37, %dma_wait3A_168, %dma_wait3A_169] : memref<2x16x8192xf32, #tpu.memory_space<vmem_shared>> -> memref<1x16x8192xf32, #tpu.memory_space<vmem_shared>>
          %dma_wait3A_171 = tpu.memref_squeeze %dma_wait3A_170 : memref<1x16x8192xf32, #tpu.memory_space<vmem_shared>> -> memref<16x8192xf32, #tpu.memory_space<vmem_shared>>
          %dma_wait3A_172 = arith.constant 0 : i32
          %dma_wait3A_173 = tpu.memref_slice %dma_wait3A_171[%arg1, %dma_wait3A_172] : memref<16x8192xf32, #tpu.memory_space<vmem_shared>> -> memref<1x8192xf32, #tpu.memory_space<vmem_shared>>
          %dma_wait3A_174 = tpu.memref_squeeze %dma_wait3A_173 : memref<1x8192xf32, #tpu.memory_space<vmem_shared>> -> memref<8192xf32, #tpu.memory_space<vmem_shared>>
          tpu.wait_dma2 semaphore(%arg21 : memref<!tpu.dma_semaphore, #tpu.memory_space<semaphore_mem>>) src(%dma_wait3A_174 : memref<8192xf32, #tpu.memory_space<vmem_shared>>) dst(%dma_wait3A_167 : memref<8192xf32, #tpu.memory_space<hbm>>)
        } else {
        }
        %sub3A = arith.constant 1 : i32
        %sub3A_139 = arith.subi %add3A_91, %sub3A : i32
        %iota3A_140 = tpu.iota {dimensions = array<i32: 0>} : vector<16xi32>
        %scan3A_141 = arith.constant 0 : i32
        %scan3A_142 = arith.constant 4 : i32
        %scan3A_143 = arith.addi %scan3A_141, %scan3A_142 : i32
        %scan3A_144 = arith.constant 1 : i32
        scf.for %scan3A_160 = %scan3A_141 to %scan3A_143 step %scan3A_144  : i32 {
          %mul3A_161 = arith.constant 1 : i32
          %mul3A_162 = arith.muli %scan3A_160, %mul3A_161 : i32
          %add3A_163 = arith.constant 0 : i32
          %add3A_164 = arith.addi %add3A_163, %mul3A_162 : i32
          %mul3A_165 = arith.constant 2048 : i32
          %mul3A_166 = arith.muli %add3A_164, %mul3A_165 : i32
          %mul3A_167 = arith.constant 4 : i32
          %mul3A_168 = arith.muli %sub3A_139, %mul3A_167 : i32
          %add3A_169 = arith.addi %mul3A_168, %add3A_164 : i32
          %broadcast_in_dim3A = vector.broadcast %add3A_169 : i32 to vector<16xi32>
          %gather3A = tpu.vector_load_idx %arg8[%broadcast_in_dim3A] : memref<256xi32, #tpu.memory_space<vmem>>[vector<16xi32>], vector<16xi32>,
          %add3A_170 = arith.addi %gather3A, %iota3A_140 : vector<16xi32>
          %parallel_loop3A = arith.constant 0 : i32
          %parallel_loop3A_171 = arith.constant 128 : i32
          %parallel_loop3A_172 = arith.constant 1 : i32
          scf.for %parallel_loop3A_173 = %parallel_loop3A to %parallel_loop3A_171 step %parallel_loop3A_172  : i32 {
            %parallel_loop3A_174 = arith.constant 16 : i32
            %parallel_loop3A_175 = arith.muli %parallel_loop3A_173, %parallel_loop3A_174 : i32
            %parallel_loop3A_176 = vector.broadcast %parallel_loop3A_175 : i32 to vector<16xi32>
            %parallel_loop3A_177 = arith.addi %add3A_170, %parallel_loop3A_176 : vector<16xi32>
            %parallel_loop3A_178 = tpu.vector_load_idx %arg6[%parallel_loop3A_177] : memref<34816xf32, #tpu.memory_space<vmem>>[vector<16xi32>], vector<16xf32>,
            %parallel_loop3A_179 = arith.constant 16 : i32
            %parallel_loop3A_180 = arith.muli %parallel_loop3A_173, %parallel_loop3A_179 : i32
            %parallel_loop3A_181 = arith.addi %mul3A_166, %parallel_loop3A_180 : i32
            %parallel_loop3A_182 = arith.index_cast %parallel_loop3A_181 : i32 to index
            %parallel_loop3A_183 = tpu.vector_load %arg9[%parallel_loop3A_182] {strides = array<i32>} : memref<8192xf32, #tpu.memory_space<vmem>>, vector<16xf32>,
            %parallel_loop3A_184 = arith.addf %parallel_loop3A_183, %parallel_loop3A_178 : vector<16xf32>
            %parallel_loop3A_185 = arith.index_cast %parallel_loop3A_181 : i32 to index
            %parallel_loop3A_186 = tpu.vector_load %arg11[%parallel_loop3A_185] {strides = array<i32>} : memref<8192xf32, #tpu.memory_space<vmem>>, vector<16xf32>,
            tpu.vector_store %arg11[%parallel_loop3A_185], %parallel_loop3A_184 {strides = array<i32>} : memref<8192xf32, #tpu.memory_space<vmem>>, vector<16xf32>,
          } {sc.loop_unroll_factor = 8 : i64, sc.parallel_access}
        }
        %scan3A_145 = arith.constant 4 : i32
        %dma_start3A_146 = arith.constant 0 : i32
        %dma_start3A_147 = arith.constant 0 : i32
        %dma_start3A_148 = tpu.memref_slice %arg14[%scan3A_37, %dma_start3A_146, %dma_start3A_147] : memref<2x16x8192xf32, #tpu.memory_space<vmem_shared>> -> memref<1x16x8192xf32, #tpu.memory_space<vmem_shared>>
        %dma_start3A_149 = tpu.memref_squeeze %dma_start3A_148 : memref<1x16x8192xf32, #tpu.memory_space<vmem_shared>> -> memref<16x8192xf32, #tpu.memory_space<vmem_shared>>
        %dma_start3A_150 = arith.constant 0 : i32
        %dma_start3A_151 = tpu.memref_slice %dma_start3A_149[%arg1, %dma_start3A_150] : memref<16x8192xf32, #tpu.memory_space<vmem_shared>> -> memref<1x8192xf32, #tpu.memory_space<vmem_shared>>
        %dma_start3A_152 = tpu.memref_squeeze %dma_start3A_151 : memref<1x8192xf32, #tpu.memory_space<vmem_shared>> -> memref<8192xf32, #tpu.memory_space<vmem_shared>>
        %dma_start3A_153 = arith.constant 0 : i32
        %dma_start3A_154 = arith.constant 0 : i32
        %dma_start3A_155 = tpu.memref_slice %arg14[%scan3A_37, %dma_start3A_153, %dma_start3A_154] : memref<2x16x8192xf32, #tpu.memory_space<vmem_shared>> -> memref<1x16x8192xf32, #tpu.memory_space<vmem_shared>>
        %dma_start3A_156 = tpu.memref_squeeze %dma_start3A_155 : memref<1x16x8192xf32, #tpu.memory_space<vmem_shared>> -> memref<16x8192xf32, #tpu.memory_space<vmem_shared>>
        %dma_start3A_157 = arith.constant 0 : i32
        %dma_start3A_158 = tpu.memref_slice %dma_start3A_156[%arg1, %dma_start3A_157] : memref<16x8192xf32, #tpu.memory_space<vmem_shared>> -> memref<1x8192xf32, #tpu.memory_space<vmem_shared>>
        %dma_start3A_159 = tpu.memref_squeeze %dma_start3A_158 : memref<1x8192xf32, #tpu.memory_space<vmem_shared>> -> memref<8192xf32, #tpu.memory_space<vmem_shared>>
        tpu.enqueue_dma source(%arg11 : memref<8192xf32, #tpu.memory_space<vmem>>) target(%dma_start3A_159 : memref<8192xf32, #tpu.memory_space<vmem_shared>>) target_semaphore(%arg19 : memref<!tpu.dma_semaphore, #tpu.memory_space<semaphore_mem>>)
      } else {
      }
      %ge3A_105 = arith.constant 2 : i32
      %ge3A_106 = arith.cmpi sge, %add3A_91, %ge3A_105 : i32
      %le3A_107 = arith.constant 65 : i32
      %le3A_108 = arith.cmpi sle, %add3A_91, %le3A_107 : i32
      %and3A_109 = arith.andi %ge3A_106, %le3A_108 : i1
      %convert_element_type3A_110 = arith.extui %and3A_109 : i1 to i32
      %cond3A_111 = arith.constant 0 : i32
      %cond3A_112 = arith.cmpi ne, %convert_element_type3A_110, %cond3A_111 : i32
      scf.if %cond3A_112 {
        %dma_wait3A_113 = arith.constant 0 : i32
        %dma_wait3A_114 = arith.constant 0 : i32
        %dma_wait3A_115 = tpu.memref_slice %arg14[%scan3A_36, %dma_wait3A_113, %dma_wait3A_114] : memref<2x16x8192xf32, #tpu.memory_space<vmem_shared>> -> memref<1x16x8192xf32, #tpu.memory_space<vmem_shared>>
        %dma_wait3A_116 = tpu.memref_squeeze %dma_wait3A_115 : memref<1x16x8192xf32, #tpu.memory_space<vmem_shared>> -> memref<16x8192xf32, #tpu.memory_space<vmem_shared>>
        %dma_wait3A_117 = arith.constant 0 : i32
        %dma_wait3A_118 = tpu.memref_slice %dma_wait3A_116[%arg1, %dma_wait3A_117] : memref<16x8192xf32, #tpu.memory_space<vmem_shared>> -> memref<1x8192xf32, #tpu.memory_space<vmem_shared>>
        %dma_wait3A_119 = tpu.memref_squeeze %dma_wait3A_118 : memref<1x8192xf32, #tpu.memory_space<vmem_shared>> -> memref<8192xf32, #tpu.memory_space<vmem_shared>>
        %dma_wait3A_120 = arith.constant 0 : i32
        %dma_wait3A_121 = arith.constant 0 : i32
        %dma_wait3A_122 = tpu.memref_slice %arg14[%scan3A_36, %dma_wait3A_120, %dma_wait3A_121] : memref<2x16x8192xf32, #tpu.memory_space<vmem_shared>> -> memref<1x16x8192xf32, #tpu.memory_space<vmem_shared>>
        %dma_wait3A_123 = tpu.memref_squeeze %dma_wait3A_122 : memref<1x16x8192xf32, #tpu.memory_space<vmem_shared>> -> memref<16x8192xf32, #tpu.memory_space<vmem_shared>>
        %dma_wait3A_124 = arith.constant 0 : i32
        %dma_wait3A_125 = tpu.memref_slice %dma_wait3A_123[%arg1, %dma_wait3A_124] : memref<16x8192xf32, #tpu.memory_space<vmem_shared>> -> memref<1x8192xf32, #tpu.memory_space<vmem_shared>>
        %dma_wait3A_126 = tpu.memref_squeeze %dma_wait3A_125 : memref<1x8192xf32, #tpu.memory_space<vmem_shared>> -> memref<8192xf32, #tpu.memory_space<vmem_shared>>
        tpu.wait_dma2 semaphore(%arg20 : memref<!tpu.dma_semaphore, #tpu.memory_space<semaphore_mem>>) src(%arg12 : memref<8192xf32, #tpu.memory_space<vmem>>) dst(%dma_wait3A_126 : memref<8192xf32, #tpu.memory_space<vmem_shared>>)
        %sub3A = arith.constant 2 : i32
        %sub3A_127 = arith.subi %add3A_91, %sub3A : i32
        %mul3A_128 = arith.constant 4 : i32
        %mul3A_129 = arith.muli %sub3A_127, %mul3A_128 : i32
        %add3A_130 = arith.addi %mul3A_2, %mul3A_129 : i32
        %mul3A_131 = arith.constant 2048 : i32
        %mul3A_132 = arith.muli %add3A_130, %mul3A_131 : i32
        %dma_start3A_133 = tpu.memref_slice %arg5[%mul3A_132] : memref<16777216xf32, #tpu.memory_space<hbm>> -> memref<8192xf32, #tpu.memory_space<hbm>>
        %dma_start3A_134 = arith.constant 0 : i32
        %dma_start3A_135 = arith.constant 0 : i32
        %dma_start3A_136 = tpu.memref_slice %arg14[%scan3A_36, %dma_start3A_134, %dma_start3A_135] : memref<2x16x8192xf32, #tpu.memory_space<vmem_shared>> -> memref<1x16x8192xf32, #tpu.memory_space<vmem_shared>>
        %dma_start3A_137 = tpu.memref_squeeze %dma_start3A_136 : memref<1x16x8192xf32, #tpu.memory_space<vmem_shared>> -> memref<16x8192xf32, #tpu.memory_space<vmem_shared>>
        %dma_start3A_138 = arith.constant 0 : i32
        %dma_start3A_139 = tpu.memref_slice %dma_start3A_137[%arg1, %dma_start3A_138] : memref<16x8192xf32, #tpu.memory_space<vmem_shared>> -> memref<1x8192xf32, #tpu.memory_space<vmem_shared>>
        %dma_start3A_140 = tpu.memref_squeeze %dma_start3A_139 : memref<1x8192xf32, #tpu.memory_space<vmem_shared>> -> memref<8192xf32, #tpu.memory_space<vmem_shared>>
        tpu.enqueue_dma source(%dma_start3A_140 : memref<8192xf32, #tpu.memory_space<vmem_shared>>) target(%dma_start3A_133 : memref<8192xf32, #tpu.memory_space<hbm>>) target_semaphore(%arg22 : memref<!tpu.dma_semaphore, #tpu.memory_space<semaphore_mem>>)
      } else {
      }
    }
    %scan3A_42 = arith.constant 33 : i32
    %add3A_43 = arith.constant 248 : i32
    %add3A_44 = arith.addi %mul3A_2, %add3A_43 : i32
    %mul3A_45 = arith.constant 2048 : i32
    %mul3A_46 = arith.muli %add3A_44, %mul3A_45 : i32
    %dma_wait3A = arith.constant 0 : i32
    %dma_wait3A_47 = tpu.memref_slice %arg5[%mul3A_46] : memref<16777216xf32, #tpu.memory_space<hbm>> -> memref<8192xf32, #tpu.memory_space<hbm>>
    %dma_wait3A_48 = arith.constant 0 : i32
    %dma_wait3A_49 = arith.constant 0 : i32
    %dma_wait3A_50 = tpu.memref_slice %arg14[%dma_wait3A, %dma_wait3A_48, %dma_wait3A_49] : memref<2x16x8192xf32, #tpu.memory_space<vmem_shared>> -> memref<1x16x8192xf32, #tpu.memory_space<vmem_shared>>
    %dma_wait3A_51 = tpu.memref_squeeze %dma_wait3A_50 : memref<1x16x8192xf32, #tpu.memory_space<vmem_shared>> -> memref<16x8192xf32, #tpu.memory_space<vmem_shared>>
    %dma_wait3A_52 = arith.constant 0 : i32
    %dma_wait3A_53 = tpu.memref_slice %dma_wait3A_51[%arg1, %dma_wait3A_52] : memref<16x8192xf32, #tpu.memory_space<vmem_shared>> -> memref<1x8192xf32, #tpu.memory_space<vmem_shared>>
    %dma_wait3A_54 = tpu.memref_squeeze %dma_wait3A_53 : memref<1x8192xf32, #tpu.memory_space<vmem_shared>> -> memref<8192xf32, #tpu.memory_space<vmem_shared>>
    tpu.wait_dma2 semaphore(%arg21 : memref<!tpu.dma_semaphore, #tpu.memory_space<semaphore_mem>>) src(%dma_wait3A_54 : memref<8192xf32, #tpu.memory_space<vmem_shared>>) dst(%dma_wait3A_47 : memref<8192xf32, #tpu.memory_space<hbm>>)
    %add3A_55 = arith.constant 252 : i32
    %add3A_56 = arith.addi %mul3A_2, %add3A_55 : i32
    %mul3A_57 = arith.constant 2048 : i32
    %mul3A_58 = arith.muli %add3A_56, %mul3A_57 : i32
    %dma_wait3A_59 = arith.constant 1 : i32
    %dma_wait3A_60 = tpu.memref_slice %arg5[%mul3A_58] : memref<16777216xf32, #tpu.memory_space<hbm>> -> memref<8192xf32, #tpu.memory_space<hbm>>
    %dma_wait3A_61 = arith.constant 0 : i32
    %dma_wait3A_62 = arith.constant 0 : i32
    %dma_wait3A_63 = tpu.memref_slice %arg14[%dma_wait3A_59, %dma_wait3A_61, %dma_wait3A_62] : memref<2x16x8192xf32, #tpu.memory_space<vmem_shared>> -> memref<1x16x8192xf32, #tpu.memory_space<vmem_shared>>
    %dma_wait3A_64 = tpu.memref_squeeze %dma_wait3A_63 : memref<1x16x8192xf32, #tpu.memory_space<vmem_shared>> -> memref<16x8192xf32, #tpu.memory_space<vmem_shared>>
    %dma_wait3A_65 = arith.constant 0 : i32
    %dma_wait3A_66 = tpu.memref_slice %dma_wait3A_64[%arg1, %dma_wait3A_65] : memref<16x8192xf32, #tpu.memory_space<vmem_shared>> -> memref<1x8192xf32, #tpu.memory_space<vmem_shared>>
    %dma_wait3A_67 = tpu.memref_squeeze %dma_wait3A_66 : memref<1x8192xf32, #tpu.memory_space<vmem_shared>> -> memref<8192xf32, #tpu.memory_space<vmem_shared>>
    tpu.wait_dma2 semaphore(%arg22 : memref<!tpu.dma_semaphore, #tpu.memory_space<semaphore_mem>>) src(%dma_wait3A_67 : memref<8192xf32, #tpu.memory_space<vmem_shared>>) dst(%dma_wait3A_60 : memref<8192xf32, #tpu.memory_space<hbm>>)
    return
  }
}

</mosaic_0001>

<sc_bundles>
// kernel: _run.3.cloned.1.call-start
scs
__scs_entry_jumppad:
0x0: {  	(pc) =	sbr.rel $0x88, $3  }
0x1: {  	(tag) =	ssettag $0x0;
	lr =	simm.s32 $0x1  }
0x2: {  	[smem:$0x3F9E] =	sst lr;
	_ =	strace $0xD0000000  }
0x3: {  	_ = 	snop  }
0x4: {  	_ = 	snop  }
0x5: {  	_ = 	snop  }
0x6: {  	_ = 	snop  }
0x7: {  	_ = 	snop  }
__scs_overlays_trampoline_lowered:
0x8: {  	[smem:$0x3FAD] =	sst s0  }
0x9: {  	[smem:$0x3FAE] =	sst s1  }
0xa: {  	[smem:$0x3FAF] =	sst s2  }
0xb: {  	[smem:$0x3FB0] =	sst s3  }
0xc: {  	[smem:$0x3FB1] =	sst s4  }
0xd: {  	[smem:$0x3FB2] =	sst s5  }
0xe: {  	[smem:$0x3FB3] =	sst s6  }
0xf: {  	[smem:$0x3FB4] =	sst s7  }
0x10: {  	[smem:$0x3FB5] =	sst s8  }
0x11: {  	[smem:$0x3FB6] =	sst s9;
	s0 =	simm.s32 @!p0 $0x0  }
0x12: {  	s1 =	sld [smem:$0x3F9C];
	s0 =	simm.s32 @p0 $0x1  }
0x13: {  	[smem:$0x3FB7] =	sst s0;
	s0 =	simm.s32 @!p1 $0x0  }
0x14: {  	s2 =	sld [smem:$0x3F9B];
	s0 =	simm.s32 @p1 $0x1  }
0x15: {  	[smem:$0x3FB8] =	sst s0;
	s0 =	simm.s32 @!p2 $0x0  }
0x16: {  	s3 =	sld [smem:$0x3FDB];
	s0 =	simm.s32 @p2 $0x1  }
0x17: {  	s4 =	simm.s32 $0x1BF5;
	[smem:$0x3FBA] =	sst s0  }
0x18: {  	s0 =	sld [smem:$0x3F9D];
	_ =	swait.ge [sflag:s4], $0x0  }
0x19: {  	s7 =	sld [smem:$0x3F9E]  }
0x1a: {  	s8 =	sadd.s32 $0xFFFFE003, lr  }
0x1b: {  	s9 =	sadd.s32 $0xFFFFFEF7, lr;
	s5 =	simm.s32 $0xFFFFFFFF;
	p2 =	slt.u32 s8, $0xFFFFF086  }
0x1c: {  	p1 =	slt.u32 s9, $0xF7A;
	s5 =	simm.s32 @!p2 $0x0  }
0x1d: {  	s5 =	simm.s32 @p1 $0x1;
	p0 =	seq.s32 s7, s2  }
0x1e: {  	s7 =	smul.u32 @!p0 $0xF7A, s2;
	p2 =	seq.s32 @!p0 s5, $0x0  }
0x1f: {  	s9 =	smul.u32 $0xF7A, s1;
	s8 =	simm.s32 @!p0 $0x1BF5;
	p2 =	por !p2, p0  }
0x20: {  	[sflag:s8] =	ssyncset.s32 @!p0 $0xFFFFF086;
	s6 =	sadd.s32 @!p0 s3, s7;
	s7 =	simm.s32 @!p0 $0x108  }
0x21: {  	s3 =	sadd.s32 s3, s9;
	s6 =	sadd.s32 @!p0 $0x88, s6;
	s7 =	simm.s32 @p2 $0x1082  }
0x22: {  	[simem:s7], [sflag:s8] =	dma.local @!p0 [hbm:s6], $0xF7A  }
0x23: {  	s9 =	sor.u32 $0xD0000000, s2;
	s6 =	simm.s32 $0x108;
	_ =	swait.ge @!p0 [sflag:s8], $0x0  }
0x24: {  	s3 =	sadd.s32 $0x88, s3;
	s6 =	simm.s32 @!p1 $0x1082;
	[sflag:s4] =	ssyncset.s32 $0xFFFFF086  }
0x25: {  	[simem:s6], [sflag:s4] =	dma.local [hbm:s3], $0xF7A  }
0x26: {  	[smem:$0x3F9E] =	sst s1;
	(tag) =	ssettag s2;
	_ =	strace s9  }
0x27: {  	s1 =	sld [smem:$0x3FAE]  }
0x28: {  	s2 =	sld [smem:$0x3FAF]  }
0x29: {  	s4 =	sld [smem:$0x3FB1]  }
0x2a: {  	p0 =	seq.s32 s5, $0x0;
	s5 =	sld [smem:$0x3FB2]  }
0x2b: {  	s6 =	sld [smem:$0x3FB3]  }
0x2c: {  	s7 =	sld [smem:$0x3FB4]  }
0x2d: {  	s3 =	simm.s32 $0x108;
	s8 =	sld [smem:$0x3FB5]  }
0x2e: {  	s3 =	simm.s32 @!p0 $0x1082;
	s9 =	sld [smem:$0x3FB6]  }
0x2f: {  	lr =	sadd.s32 s0, s3;
	s0 =	sld [smem:$0x3FAD]  }
0x30: {  	s3 =	sld [smem:$0x3FB0]  }
0x31: {  	[smem:$0x3FB9] =	sst s10  }
0x32: {  	s10 =	sld [smem:$0x3FB7];
	_ =	sdelay $0x3  }
0x33: {  	p0 =	seq.s32 s10, $0x1;
	s10 =	sld [smem:$0x3FB9];
	_ =	sdelay $0x3  }
0x34: {  	[smem:$0x3FB9] =	sst s10  }
0x35: {  	s10 =	sld [smem:$0x3FB8];
	_ =	sdelay $0x3  }
0x36: {  	p1 =	seq.s32 s10, $0x1;
	s10 =	sld [smem:$0x3FB9];
	_ =	sdelay $0x3  }
0x37: {  	[smem:$0x3FB9] =	sst s10  }
0x38: {  	s10 =	sld [smem:$0x3FBA]  }
0x39: {  	_ = 	snop;
	(pc) =	sbr.ind lr, $3  }
0x3a: {  	_ = 	snop  }
0x3b: {  	_ = 	snop  }
0x3c: {  	p2 =	seq.s32 s10, $0x1;
	s10 =	sld [smem:$0x3FB9]  }
0x3d: {  	_ =	shalt  }
0x3e: {  	_ =	shalt  }
0x3f: {  	_ =	shalt  }
0x40: {  	_ =	shalt  }
0x41: {  	_ =	shalt  }
0x42: {  	_ =	shalt  }
0x43: {  	_ =	shalt  }
0x44: {  	_ =	shalt  }
0x45: {  	_ =	shalt  }
0x46: {  	_ =	shalt  }
0x47: {  	_ =	shalt  }
0x48: {  	_ =	shalt  }
0x49: {  	_ =	shalt  }
0x4a: {  	_ =	shalt  }
0x4b: {  	_ =	shalt  }
0x4c: {  	_ =	shalt  }
0x4d: {  	_ =	shalt  }
0x4e: {  	_ =	shalt  }
0x4f: {  	_ =	shalt  }
0x50: {  	_ =	shalt  }
0x51: {  	_ =	shalt  }
0x52: {  	_ =	shalt  }
0x53: {  	_ =	shalt  }
0x54: {  	_ =	shalt  }
0x55: {  	_ =	shalt  }
0x56: {  	_ =	shalt  }
0x57: {  	_ =	shalt  }
0x58: {  	_ =	shalt  }
0x59: {  	_ =	shalt  }
0x5a: {  	_ =	shalt  }
0x5b: {  	_ =	shalt  }
0x5c: {  	_ =	shalt  }
0x5d: {  	_ =	shalt  }
0x5e: {  	_ =	shalt  }
0x5f: {  	_ =	shalt  }
0x60: {  	_ =	shalt  }
0x61: {  	_ =	shalt  }
0x62: {  	_ =	shalt  }
0x63: {  	_ =	shalt  }
0x64: {  	_ =	shalt  }
0x65: {  	_ =	shalt  }
0x66: {  	_ =	shalt  }
0x67: {  	_ =	shalt  }
0x68: {  	_ =	shalt  }
0x69: {  	_ =	shalt  }
0x6a: {  	_ =	shalt  }
0x6b: {  	_ =	shalt  }
0x6c: {  	_ =	shalt  }
0x6d: {  	_ =	shalt  }
0x6e: {  	_ =	shalt  }
0x6f: {  	_ =	shalt  }
0x70: {  	_ =	shalt  }
0x71: {  	_ =	shalt  }
0x72: {  	_ =	shalt  }
0x73: {  	_ =	shalt  }
0x74: {  	_ =	shalt  }
0x75: {  	_ =	shalt  }
0x76: {  	_ =	shalt  }
0x77: {  	_ =	shalt  }
0x78: {  	_ =	shalt  }
0x79: {  	_ =	shalt  }
0x7a: {  	_ =	shalt  }
0x7b: {  	_ =	shalt  }
0x7c: {  	_ =	shalt  }
0x7d: {  	_ =	shalt  }
0x7e: {  	_ =	shalt  }
0x7f: {  	_ =	shalt  }
0x80: {  	_ =	shalt  }
0x81: {  	_ =	shalt  }
0x82: {  	_ =	shalt  }
0x83: {  	_ =	shalt  }
0x84: {  	_ =	shalt  }
0x85: {  	_ =	shalt  }
0x86: {  	_ =	shalt  }
0x87: {  	_ =	shalt  }
.Lfunc_end0:
.L_simem_size_0:
called_computation_lowered:
.L_overlay_start_0:
0x88: {  	s2 =	sld [smem:$0x3FD9]  }
0x89: {  	s3 =	sld [smem:$0x3FFE];
	_ =	sdelay $0x1  }
0x8a: {  	s1 =	srdreg.scid  }
0x8b: {  	s0 =	sand.u32 $0x1, s1  }
0x8c: {  	s18 =	sshll.u32 s0, $0xA;
	s2 =	sadd.s32 s3, s2  }
0x8d: {  	s2 =	sadd.s32 s2, s18  }
0x8e: {  	[smem:$0x3FC5] =	sst s2  }
0x8f: {  	_ = 	snop  }
0x90: {  	s2 =	sld [smem:$0x3FC9]  }
0x91: {  	s19 =	sld [smem:$0x3FC8]  }
0x92: {  	s4 =	sld [smem:$0x3FC7]  }
0x93: {  	s5 =	sld [smem:$0x3FD0];
	(tm) =	ssettm $0x1  }
0x94: {  	s6 =	sld [smem:$0x3FFB];
	_ =	sdelay $0x3  }
0x95: {  	_ =	strace s6  }
0x96: {  	s6 =	sld [smem:$0x3FFC];
	_ =	sdelay $0x3  }
0x97: {  	_ =	strace s6  }
0x98: {  	s6 =	sld [smem:$0x3FFD];
	_ =	sdelay $0x3  }
0x99: {  	_ =	strace s6  }
0x9a: {  	_ =	strace $0x8FFFFFFF  }
0x9b: {  	s20 =	sld [smem:$0x3FDB];
	_ =	sdelay $0x1  }
0x9c: {  	s7 =	simm.s32 $_scs_section_size  }
0x9d: {  	s8 =	simm.s32 $_size__tile_overlayer_lowered;
	s9 =	simm.s32 $_tile_overlayer_lowered  }
0x9e: {  	s23 =	simm.s32 $0x1BFF;
	s22 =	sshll.u32 s9, $0x1;
	s6 =	sadd.s32 s7, s20  }
0x9f: {  	s10 =	simm.s32 $0x0;
	s21 =	sshll.u32 s8, $0x1;
	s8 =	sadd.s32 s22, s6  }
0xa0: {  	[timem:s10], [sflag:s23] =	dma.local [hbm:s8], s21  }
0xa1: {  	_ =	swait.ge [sflag:s23], s21  }
0xa2: {  	s7 =	ssub.s32 $0x0, s21;
	[sflag:s23] =	ssyncset.done $0x0  }
0xa3: {  	[sflag:s23] =	ssyncadd.s32 s7;
	_ =	sdelay $0x1  }
0xa4: {  	s24 =	simm.s32 $0x1B8B  }
0xa5: {  	_ =	swait.ge [sflag:s24], $0x1  }
0xa6: {  	[sflag:s24] =	ssyncset.done $0x0  }
0xa7: {  	s25 =	simm.s32 $0x1B8E;
	[sflag:s24] =	ssyncadd.s32 $0xFFFFFFFF  }
0xa8: {  	s26 =	simm.s32 $execute0_lowered;
	[smem:$0x3FD2] =	sst s25  }
0xa9: {  	s7 =	sshll.u32 s26, $0x1;
	_ =	strace $0x80000046;
	[dreg:$0x1] =	wrdreg $0xFFFFFFFF  }
0xaa: {  	s28 =	simm.s32 $_size_execute0_lowered;
	s6 =	sadd.s32 s6, s7;
	[dreg:$0x0] =	wrdreg $0x0  }
0xab: {  	s7 =	sshll.u32 s28, $0x1;
	[dreg:$0x2] =	wrdreg s6  }
0xac: {  	[dreg:$0x3] =	wrdreg s7  }
0xad: {  	[dreg:$0x4] =	wrdreg $0xC0  }
0xae: {  	_ =	task [dreg:s10], $0x5FFFF  }
0xaf: {  	[dreg:$0x1] =	wrdreg $0xFFFFFFFF  }
0xb0: {  	[dreg:$0x0] =	wrdreg $0x60  }
0xb1: {  	[dreg:$0x2] =	wrdreg s2  }
0xb2: {  	[dreg:$0x3] =	wrdreg s19  }
0xb3: {  	[dreg:$0x4] =	wrdreg s4  }
0xb4: {  	[dreg:$0x5] =	wrdreg s5  }
0xb5: {  	[dreg:$0x6] =	wrdreg $0x119000  }
0xb6: {  	[dreg:$0x7] =	wrdreg $0x159000  }
0xb7: {  	[dreg:$0x8] =	wrdreg $0x9  }
0xb8: {  	_ =	task.clear_ibuf [dreg:s10], $0x9FFFF;
	_ =	strace $0x90000046  }
0xb9: {  	s29 =	simm.s32 $0x9;
	_ =	strace $0x80000048  }
0xba: {  	_ =	swait.ge [sflag:s29], $0x1  }
0xbb: {  	[sflag:s29] =	ssyncadd.s32 $0xFFFFFFFF  }
0xbc: {  	_ =	strace $0x90000048  }
0xbd: {  	_ =	sfence  }
0xbe: {  	s30 =	sld [smem:$0x0];
	_ =	sdelay $0x2  }
0xbf: {  	s31 =	sshll.u32 s1, $0xD;
	s1 =	sshrl.u32 s1, $0x2  }
0xc0: {  	s3 =	sand.u32 $0x4000, s31;
	s1 =	sadd.s32 s1, s30  }
0xc1: {  	s0 =	sor.u32 s3, s0;
	s1 =	sshll.u32 s1, $0x11  }
0xc2: {  	s0 =	sor.u32 s1, s0  }
0xc3: {  	s0 =	sadd.s32 $0x8F2B, s0  }
0xc4: {  	[sflag:s0] =	ssyncadd.remote.s32 $0x1  }
0xc5: {  	_ =	sfence.sel $0xFFFF  }
0xc6: {  	[dreg:$0x0] =	wrdreg $0xFFFFFFFF;
	(pc) =	sbr.abs _section_cstart, $3  }
0xc7: {  	[dreg:$0x1] =	wrdreg $0xFFFFFFFF  }
0xc8: {  	_ =	task.clear_ibuf [dreg:s10], $0x2FFFF;
	_ =	strace $0x9FFFFFFF  }
0xc9: {  	(tm) =	ssettm $0x7FFFFFFF  }
tec
execute0_lowered:
.L_overlay_start_1:
0x0: {  	(tag) =	ssettag $0x1  }
0x1: {  	s0 =	rddreg [dreg:$0x0]  }
0x2: {  	s1 =	rddreg [dreg:$0x1]  }
0x3: {  	s2 =	rddreg [dreg:$0x3]  }
0x4: {  	s4 =	rddreg [dreg:$0x4]  }
0x5: {  	s5 =	rddreg [dreg:$0x5];
	s3 =	simm.s32 $0x0;
	s6 =	srdreg.scid  }
0x6: {  	s14 =	stileid.u32;
	s17 =	simm.s32 $0x8800;
	s28 =	simm.s32 $0x400  }
0x7: {  	s30 =	simm.s32 $0x5;
	s31 =	simm.s32 $0x3;
	s15 =	simm.s32 $0x10  }
0x8: {  	[smem:$0x7FF] =	sst s3;
	s6 =	sand.u32 $0x1, s6;
	s8 =	sshll.u32 s14, $0x1  }
0x9: {  	s9 =	sshll.u32 s14, $0xD;
	s10 =	sshll.u32 s14, $0x7;
	s18 =	sshll.u32 s14, $0x6  }
0xa: {  	_ =	strace $0x80000047;
	s7 =	ssub.s32 $0x2, s6;
	s6 =	sor.u32 s6, s8  }
0xb: {  	s20 =	sor.u32 s10, s9;
	s26 =	sor.u32 $0x1C01, s18;
	s8 =	simm.s32 $0x1  }
0xc: {  	s11 =	sshrl.u32 s7, $0x1;
	s21 =	sshll.u32 s6, $0x9;
	s10 =	sand.u32 $0x10380, s20  }
0xd: {  	s12 =	sshll.u32 s6, $0x10;
	[dreg:$0xc] =	wrdreg s26;
	s26 =	simm.s32 $0x9800  }
0xe: {  	s7 =	ssub.s32 s7, s11;
	s1 =	sadd.s32 s1, s21;
	s6 =	sadd.s32 s10, s4  }
0xf: {  	s0 =	sadd.s32 s0, s12;
	s9 =	sadd.s32 s10, s5;
	[dreg:$0x7] =	wrdreg s1  }
0x10: {  	s13 =	sadd.s32 $0x1FFFFC00, s12;
	s25 =	sadd.s32 $0x1FFFF800, s12;
	[dreg:$0x8] =	wrdreg s0  }
0x11: {  	s5 =	simm.s32 $0x2;
	s22 =	sadd.s32 $0x20000, s6;
	[dreg:$0xf] =	wrdreg s25  }
.Ltmp0:
0x12: {  	s23 =	sadd.s32 $0x400, s0;
	[dreg:$0xe] =	wrdreg s22;
	(pc) =	sbr.rel .LBB2_1-.Ltmp0, $4  }
0x13: {  	s11 =	sadd.s32 $0x20000, s9;
	s0 =	sadd.s32 $0x800, s0;
	[dreg:$0x9] =	wrdreg s23  }
0x14: {  	s24 =	smax.u32 s7, $0x1;
	s29 =	sshrl.u32 s6, $0x3;
	[dreg:$0xa] =	wrdreg s0  }
0x15: {  	v0 =	vlaneseq.u32;
	s25 =	simm.s32 $0x8;
	s1 =	simm.s32 $0x0;
	[dreg:$0xb] =	wrdreg s24  }
0x16: {  	v2 =	vimm.s32 $0x0;
	v1 =	vmul.u32 $0x10, v0;
	[dreg:$0xd] =	wrdreg s29;
	s22 =	simm.s32 $0x80;
	s24 =	simm.s32 $0x4  }
.LBB2_22:
0x17: {  	s0 =	simm.s32 $0x7  }
0x18: {  	_ =	swait.ge [sflag:s0], $0x400  }
0x19: {  	[sflag:s0] =	ssyncset.done $0x0  }
0x1a: {  	[sflag:s0] =	ssyncadd.s32 $0xFFFFFC00  }
0x1b: {  	_ =	swait.ge [sflag:s25], $0x400  }
0x1c: {  	s1 =	rddreg [dreg:$0x10]  }
0x1d: {  	s29 =	rddreg [dreg:$0xb];
	s1 =	sadd.s32 $0x1, s1  }
0x1e: {  	p0 =	sne.s32 s1, s29  }
.Ltmp1:
0x1f: {  	_ = 	snop;
	(pc) =	sbr.rel @!p0 .LBB2_23-.Ltmp1, $3  }
0x20: {  	_ =	sdelay $0x1  }
0x21: {  	[sflag:s25] =	ssyncset.done $0x0  }
0x22: {  	[sflag:s25] =	ssyncadd.s32 $0xFFFFFC00  }
.LBB2_1:
0x23: {  	[dreg:$0x10] =	wrdreg s1  }
0x24: {  	s0 =	rddreg [dreg:$0x2];
	s20 =	simm.s32 $0x9  }
0x25: {  	[tilespmem:s3], [sflag:$0x9] =	stream.linear.gather [hbm4b:s0+s3], $0x8800, $0x38;
	[tilespmem:$0x19900] =	vst v63  }
0x26: {  	v3 =	vmov s3;
	_ =	swait.ge [sflag:s20], $0x8800  }
0x27: {  	v3 =	vshll.u32 v3, $0x4;
	[sflag:s20] =	ssyncset.done $0x0  }
0x28: {  	v3 =	vor.u32 v1, v3;
	s21 =	rddreg [dreg:$0x7];
	[sflag:s20] =	ssyncadd.s32 $0xFFFF7800  }
0x29: {  	v4 =	vor.u32 $0x1, v3;
	[tilespmem:s17], [sflag:$0x9] =	stream.linear.gather [hbm4b:s21+s3], $0x1000, $0x38;
	[tilespmem:$0x19900] =	vst v63  }
0x2a: {  	v5 =	vor.u32 $0x2, v3;
	_ =	swait.ge [sflag:s20], $0x1000  }
0x2b: {  	v6 =	vor.u32 $0x3, v3;
	[sflag:s20] =	ssyncset.done $0x0  }
0x2c: {  	v7 =	vor.u32 $0x4, v3;
	[sflag:s20] =	ssyncadd.s32 $0xFFFFF000  }
0x2d: {  	v9 =	vor.u32 $0x5, v3;
	v8 =	vld.idx.msk [tilespmem:v3+s17+$0x0], $0xffff  }
0x2e: {  	s23 =	simm.s32 $0x10;
	v10 =	vor.u32 $0x6, v3;
	v4 =	vld.idx.msk [tilespmem:v4+s17+$0x0], $0xffff  }
0x2f: {  	v12 =	vmov s23;
	v11 =	vor.u32 $0x7, v3;
	v5 =	vld.idx.msk [tilespmem:v5+s17+$0x0], $0xffff  }
0x30: {  	v12 =	vshll.u32 v12, $0x4;
	v13 =	vor.u32 $0x8, v3;
	v14 =	vor.u32 $0x9, v3;
	v6 =	vld.idx.msk [tilespmem:v6+s17+$0x0], $0xffff  }
0x31: {  	v12 =	vor.u32 v1, v12;
	v15 =	vor.u32 $0xA, v3;
	v16 =	vor.u32 $0xF, v3;
	v7 =	vld.idx.msk [tilespmem:v7+s17+$0x0], $0xffff  }
0x32: {  	v17 =	vor.u32 $0xB, v3;
	v18 =	vor.u32 $0xD, v3;
	v19 =	vor.u32 $0xE, v3;
	v9 =	vld.idx.msk [tilespmem:v9+s17+$0x0], $0xffff  }
0x33: {  	v10 =	vld.idx.msk [tilespmem:v10+s17+$0x0], $0xffff;
	v3 =	vor.u32 $0xC, v3;
	vm0 =	veq.s32 v8, $0x0;
	vm1 =	veq.s32 v4, $0x0  }
0x34: {  	v4 =	vld.idx.msk [tilespmem:v11+s17+$0x0], $0xffff;
	v8 =	vsel vm0, $0x1, v2;
	v34 =	vsel vm1, $0x1, v2;
	vm0 =	veq.s32 v5, $0x0  }
0x35: {  	v5 =	vld.idx.msk [tilespmem:v13+s17+$0x0], $0xffff;
	v8 =	vadd.s32 v8, v34;
	v35 =	vsel vm0, $0x1, v2;
	vm0 =	veq.s32 v6, $0x0  }
0x36: {  	v6 =	vld.idx.msk [tilespmem:v14+s17+$0x0], $0xffff;
	v8 =	vadd.s32 v35, v8;
	v36 =	vsel vm0, $0x1, v2;
	vm0 =	veq.s32 v7, $0x0  }
0x37: {  	v7 =	vld.idx.msk [tilespmem:v15+s17+$0x0], $0xffff;
	v8 =	vadd.s32 v36, v8;
	v37 =	vsel vm0, $0x1, v2;
	vm0 =	veq.s32 v9, $0x0  }
0x38: {  	v38 =	vld.idx.msk [tilespmem:v17+s17+$0x0], $0xffff;
	v8 =	vadd.s32 v37, v8;
	v39 =	vsel vm0, $0x1, v2;
	vm0 =	veq.s32 v10, $0x0  }
0x39: {  	v3 =	vld.idx.msk [tilespmem:v3+s17+$0x0], $0xffff;
	v8 =	vadd.s32 v39, v8;
	v10 =	vsel vm0, $0x1, v2;
	vm0 =	veq.s32 v4, $0x0  }
0x3a: {  	v4 =	vld.idx.msk [tilespmem:v18+s17+$0x0], $0xffff;
	v8 =	vadd.s32 v10, v8;
	v40 =	vsel vm0, $0x1, v2;
	vm0 =	veq.s32 v5, $0x0  }
0x3b: {  	v5 =	vld.idx.msk [tilespmem:v19+s17+$0x0], $0xffff;
	v8 =	vadd.s32 v40, v8;
	v41 =	vsel vm0, $0x1, v2;
	vm0 =	veq.s32 v6, $0x0  }
0x3c: {  	v6 =	vld.idx.msk [tilespmem:v16+s17+$0x0], $0xffff;
	v8 =	vadd.s32 v41, v8;
	v42 =	vsel vm0, $0x1, v2;
	vm0 =	veq.s32 v7, $0x0  }
0x3d: {  	v7 =	vadd.s32 v42, v8;
	v8 =	vsel vm0, $0x1, v2;
	vm0 =	veq.s32 v38, $0x0  }
0x3e: {  	v7 =	vadd.s32 v8, v7;
	v8 =	vsel vm0, $0x1, v2;
	vm0 =	veq.s32 v3, $0x0  }
0x3f: {  	v3 =	vadd.s32 v8, v7;
	v7 =	vsel vm0, $0x1, v2;
	vm0 =	veq.s32 v4, $0x0  }
0x40: {  	v3 =	vadd.s32 v7, v3;
	v4 =	vsel vm0, $0x1, v2;
	vm0 =	veq.s32 v5, $0x0  }
0x41: {  	v3 =	vadd.s32 v4, v3;
	v4 =	vsel vm0, $0x1, v2;
	vm0 =	veq.s32 v6, $0x0  }
0x42: {  	v5 =	vor.u32 $0x1, v12;
	v3 =	vadd.s32 v4, v3;
	v4 =	vsel vm0, $0x1, v2  }
0x43: {  	v6 =	vor.u32 $0x2, v12;
	v3 =	vadd.s32 v4, v3  }
0x44: {  	v4 =	vor.u32 $0x3, v12;
	v3 =	vshll.u32 v3, $0xB  }
0x45: {  	v7 =	vor.u32 $0x4, v12;
	[tilespmem:s26+$0x0] =	vst v3  }
0x46: {  	v43 =	vor.u32 $0x5, v12;
	v8 =	vld.idx.msk [tilespmem:v12+s17+$0x0], $0xffff  }
0x47: {  	v44 =	vor.u32 $0x6, v12;
	v5 =	vld.idx.msk [tilespmem:v5+s17+$0x0], $0xffff  }
0x48: {  	v45 =	vor.u32 $0x7, v12;
	v6 =	vld.idx.msk [tilespmem:v6+s17+$0x0], $0xffff  }
0x49: {  	v46 =	vor.u32 $0x8, v12;
	v47 =	vor.u32 $0x9, v12;
	v4 =	vld.idx.msk [tilespmem:v4+s17+$0x0], $0xffff  }
0x4a: {  	s29 =	simm.s32 $0x20;
	v48 =	vor.u32 $0xA, v12;
	v49 =	vor.u32 $0xF, v12;
	v50 =	vor.u32 $0xB, v12;
	v7 =	vld.idx.msk [tilespmem:v7+s17+$0x0], $0xffff  }
0x4b: {  	v51 =	vor.u32 $0xD, v12;
	v52 =	vor.u32 $0xE, v12;
	v3 =	vmov s29;
	v9 =	vld.idx.msk [tilespmem:v43+s17+$0x0], $0xffff  }
0x4c: {  	v10 =	vld.idx.msk [tilespmem:v44+s17+$0x0], $0xffff;
	vm0 =	veq.s32 v8, $0x0;
	vm1 =	veq.s32 v5, $0x0;
	v5 =	vor.u32 $0xC, v12  }
0x4d: {  	v8 =	vld.idx.msk [tilespmem:v45+s17+$0x0], $0xffff;
	v53 =	vsel vm0, $0x1, v2;
	v54 =	vsel vm1, $0x1, v2;
	vm0 =	veq.s32 v6, $0x0  }
0x4e: {  	v6 =	vld.idx.msk [tilespmem:v46+s17+$0x0], $0xffff;
	v11 =	vadd.s32 v53, v54;
	v55 =	vsel vm0, $0x1, v2;
	vm0 =	veq.s32 v4, $0x0  }
0x4f: {  	v4 =	vld.idx.msk [tilespmem:v47+s17+$0x0], $0xffff;
	v11 =	vadd.s32 v55, v11;
	v56 =	vsel vm0, $0x1, v2;
	vm0 =	veq.s32 v7, $0x0  }
0x50: {  	v7 =	vld.idx.msk [tilespmem:v48+s17+$0x0], $0xffff;
	v11 =	vadd.s32 v56, v11;
	v57 =	vsel vm0, $0x1, v2;
	vm0 =	veq.s32 v9, $0x0  }
0x51: {  	v58 =	vld.idx.msk [tilespmem:v50+s17+$0x0], $0xffff;
	v11 =	vadd.s32 v57, v11;
	v59 =	vsel vm0, $0x1, v2;
	vm0 =	veq.s32 v10, $0x0  }
0x52: {  	v5 =	vld.idx.msk [tilespmem:v5+s17+$0x0], $0xffff;
	v60 =	vadd.s32 v59, v11;
	v61 =	vsel vm0, $0x1, v2;
	vm0 =	veq.s32 v8, $0x0  }
0x53: {  	v10 =	vadd.s32 v61, v60;
	v62 =	vsel vm0, $0x1, v2;
	vm0 =	veq.s32 v6, $0x0  }
0x54: {  	v6 =	vadd.s32 v62, v10;
	v63 =	vsel vm0, $0x1, v2;
	vm0 =	veq.s32 v4, $0x0  }
0x55: {  	v8 =	vld.idx.msk [tilespmem:v51+s17+$0x0], $0xffff;
	v4 =	vadd.s32 v63, v6;
	v6 =	vsel vm0, $0x1, v2;
	vm0 =	veq.s32 v7, $0x0  }
0x56: {  	v6 =	vadd.s32 v6, v4;
	v7 =	vsel vm0, $0x1, v2;
	vm0 =	veq.s32 v58, $0x0;
	v4 =	vld.idx.msk [tilespmem:v52+s17+$0x0], $0xffff  }
0x57: {  	v6 =	vadd.s32 v7, v6;
	v7 =	vsel vm0, $0x1, v2;
	vm0 =	veq.s32 v5, $0x0;
	v5 =	vld.idx.msk [tilespmem:v49+s17+$0x0], $0xffff  }
0x58: {  	v3 =	vshll.u32 v3, $0x4  }
0x59: {  	v3 =	vor.u32 v1, v3  }
0x5a: {  	s4 =	simm.s32 $0x30;
	s0 =	simm.s32 $0x9800;
	v6 =	vadd.s32 v7, v6;
	v7 =	vsel vm0, $0x1, v2;
	vm0 =	veq.s32 v8, $0x0  }
.LBB2_2:
0x5b: {  	p0 =	sne.s32 s4, $0xF0;
	v6 =	vadd.s32 v7, v6;
	v7 =	vsel vm0, $0x1, v2;
	vm0 =	veq.s32 v4, $0x0  }
0x5c: {  	v4 =	vadd.s32 v7, v6;
	v6 =	vsel vm0, $0x1, v2;
	vm0 =	veq.s32 v5, $0x0  }
0x5d: {  	v5 =	vor.u32 $0x1, v3;
	v4 =	vadd.s32 v6, v4;
	v6 =	vsel vm0, $0x1, v2  }
0x5e: {  	v7 =	vor.u32 $0x2, v3;
	v4 =	vadd.s32 v6, v4  }
0x5f: {  	s0 =	sadd.s32 $0x10, s0;
	v6 =	vor.u32 $0x3, v3;
	v4 =	vshll.u32 v4, $0xB  }
0x60: {  	v8 =	vor.u32 $0x4, v3;
	[tilespmem:s0+$0x0] =	vst v4  }
0x61: {  	v9 =	vor.u32 $0x5, v3;
	v4 =	vld.idx.msk [tilespmem:v3+s17+$0x0], $0xffff  }
0x62: {  	v10 =	vor.u32 $0x6, v3;
	v5 =	vld.idx.msk [tilespmem:v5+s17+$0x0], $0xffff  }
0x63: {  	v11 =	vor.u32 $0x7, v3;
	v7 =	vld.idx.msk [tilespmem:v7+s17+$0x0], $0xffff  }
0x64: {  	v12 =	vmov s4;
	v13 =	vor.u32 $0x8, v3;
	v6 =	vld.idx.msk [tilespmem:v6+s17+$0x0], $0xffff  }
0x65: {  	v14 =	vor.u32 $0x9, v3;
	v12 =	vshll.u32 v12, $0x4;
	v8 =	vld.idx.msk [tilespmem:v8+s17+$0x0], $0xffff  }
0x66: {  	v15 =	vor.u32 $0xA, v3;
	v16 =	vor.u32 $0xF, v3;
	v12 =	vor.u32 v1, v12;
	v9 =	vld.idx.msk [tilespmem:v9+s17+$0x0], $0xffff  }
0x67: {  	v17 =	vor.u32 $0xB, v3;
	v18 =	vor.u32 $0xD, v3;
	v19 =	vor.u32 $0xE, v3;
	v10 =	vld.idx.msk [tilespmem:v10+s17+$0x0], $0xffff  }
0x68: {  	vm0 =	veq.s32 v4, $0x0;
	vm1 =	veq.s32 v5, $0x0;
	v5 =	vor.u32 $0xC, v3;
	v3 =	vmovc v12;
	v4 =	vld.idx.msk [tilespmem:v11+s17+$0x0], $0xffff  }
0x69: {  	v11 =	vsel vm0, $0x1, v2;
	v12 =	vsel vm1, $0x1, v2;
	vm0 =	veq.s32 v7, $0x0;
	v7 =	vld.idx.msk [tilespmem:v13+s17+$0x0], $0xffff  }
0x6a: {  	v11 =	vadd.s32 v11, v12;
	v12 =	vsel vm0, $0x1, v2;
	vm0 =	veq.s32 v6, $0x0;
	v6 =	vld.idx.msk [tilespmem:v14+s17+$0x0], $0xffff  }
0x6b: {  	v11 =	vadd.s32 v12, v11;
	v12 =	vsel vm0, $0x1, v2;
	vm0 =	veq.s32 v8, $0x0;
	v8 =	vld.idx.msk [tilespmem:v15+s17+$0x0], $0xffff  }
0x6c: {  	v11 =	vadd.s32 v12, v11;
	v12 =	vsel vm0, $0x1, v2;
	vm0 =	veq.s32 v9, $0x0;
	v9 =	vld.idx.msk [tilespmem:v17+s17+$0x0], $0xffff  }
0x6d: {  	v11 =	vadd.s32 v12, v11;
	v12 =	vsel vm0, $0x1, v2;
	vm0 =	veq.s32 v10, $0x0;
	v10 =	vld.idx.msk [tilespmem:v5+s17+$0x0], $0xffff  }
0x6e: {  	v5 =	vadd.s32 v12, v11;
	v11 =	vsel vm0, $0x1, v2;
	vm0 =	veq.s32 v4, $0x0;
	v12 =	vld.idx.msk [tilespmem:v18+s17+$0x0], $0xffff  }
0x6f: {  	v5 =	vadd.s32 v11, v5;
	v11 =	vsel vm0, $0x1, v2;
	vm0 =	veq.s32 v7, $0x0;
	v4 =	vld.idx.msk [tilespmem:v19+s17+$0x0], $0xffff  }
.Ltmp2:
0x70: {  	v7 =	vadd.s32 v11, v5;
	v11 =	vsel vm0, $0x1, v2;
	vm0 =	veq.s32 v6, $0x0;
	v5 =	vld.idx.msk [tilespmem:v16+s17+$0x0], $0xffff;
	(pc) =	sbr.rel @p0 .LBB2_2-.Ltmp2, $4  }
0x71: {  	v6 =	vadd.s32 v11, v7;
	v7 =	vsel vm0, $0x1, v2;
	vm0 =	veq.s32 v8, $0x0  }
0x72: {  	v6 =	vadd.s32 v7, v6;
	v7 =	vsel vm0, $0x1, v2;
	vm0 =	veq.s32 v9, $0x0  }
0x73: {  	v6 =	vadd.s32 v7, v6;
	v7 =	vsel vm0, $0x1, v2;
	vm0 =	veq.s32 v10, $0x0  }
0x74: {  	s4 =	sadd.s32 $0x10, s4;
	v6 =	vadd.s32 v7, v6;
	v7 =	vsel vm0, $0x1, v2;
	vm0 =	veq.s32 v12, $0x0  }
0x75: {  	v6 =	vadd.s32 v7, v6;
	v36 =	vsel vm0, $0x1, v2;
	vm11 =	veq.s32 v4, $0x0  }
0x76: {  	vm12 =	veq.s32 v5, $0x0;
	v37 =	vadd.s32 v36, v6;
	v38 =	vsel vm11, $0x1, v2  }
0x77: {  	v39 =	vor.u32 $0x1, v3;
	v40 =	vsel vm12, $0x1, v2;
	v4 =	vadd.s32 v38, v37  }
0x78: {  	v41 =	vor.u32 $0x2, v3;
	v4 =	vadd.s32 v40, v4  }
0x79: {  	v42 =	vor.u32 $0x3, v3;
	s0 =	sadd.s32 $0x10, s0;
	v4 =	vshll.u32 v4, $0xB  }
0x7a: {  	v8 =	vor.u32 $0x4, v3;
	[tilespmem:s0+$0x0] =	vst v4  }
0x7b: {  	v9 =	vor.u32 $0x5, v3;
	v4 =	vld.idx.msk [tilespmem:v3+s17+$0x0], $0xffff  }
0x7c: {  	v10 =	vor.u32 $0x6, v3;
	v5 =	vld.idx.msk [tilespmem:v39+s17+$0x0], $0xffff  }
0x7d: {  	v11 =	vor.u32 $0x7, v3;
	v7 =	vld.idx.msk [tilespmem:v41+s17+$0x0], $0xffff  }
0x7e: {  	v12 =	vor.u32 $0x8, v3;
	v6 =	vld.idx.msk [tilespmem:v42+s17+$0x0], $0xffff  }
0x7f: {  	v13 =	vor.u32 $0x9, v3;
	v14 =	vor.u32 $0xA, v3;
	v15 =	vor.u32 $0xF, v3;
	v8 =	vld.idx.msk [tilespmem:v8+s17+$0x0], $0xffff  }
0x80: {  	v16 =	vor.u32 $0xB, v3;
	v17 =	vor.u32 $0xD, v3;
	v18 =	vor.u32 $0xE, v3;
	v9 =	vld.idx.msk [tilespmem:v9+s17+$0x0], $0xffff  }
0x81: {  	v10 =	vld.idx.msk [tilespmem:v10+s17+$0x0], $0xffff;
	v3 =	vor.u32 $0xC, v3;
	vm13 =	veq.s32 v4, $0x0;
	vm1 =	veq.s32 v5, $0x0  }
0x82: {  	v43 =	vld.idx.msk [tilespmem:v11+s17+$0x0], $0xffff;
	vm14 =	veq.s32 v7, $0x0;
	v44 =	vsel vm13, $0x1, v2;
	v45 =	vsel vm1, $0x1, v2  }
0x83: {  	v46 =	vld.idx.msk [tilespmem:v12+s17+$0x0], $0xffff;
	vm15 =	veq.s32 v6, $0x0;
	v47 =	vsel vm14, $0x1, v2;
	v5 =	vadd.s32 v44, v45  }
0x84: {  	v48 =	vld.idx.msk [tilespmem:v13+s17+$0x0], $0xffff;
	vm4 =	veq.s32 v8, $0x0;
	v49 =	vsel vm15, $0x1, v2;
	v5 =	vadd.s32 v47, v5  }
0x85: {  	v50 =	vld.idx.msk [tilespmem:v14+s17+$0x0], $0xffff;
	vm5 =	veq.s32 v9, $0x0;
	v51 =	vsel vm4, $0x1, v2;
	v5 =	vadd.s32 v49, v5  }
0x86: {  	v52 =	vld.idx.msk [tilespmem:v16+s17+$0x0], $0xffff;
	vm6 =	veq.s32 v10, $0x0;
	v53 =	vsel vm5, $0x1, v2;
	v5 =	vadd.s32 v51, v5  }
0x87: {  	v3 =	vld.idx.msk [tilespmem:v3+s17+$0x0], $0xffff;
	vm7 =	veq.s32 v43, $0x0;
	v10 =	vsel vm6, $0x1, v2;
	v5 =	vadd.s32 v53, v5  }
0x88: {  	v54 =	vld.idx.msk [tilespmem:v17+s17+$0x0], $0xffff;
	vm8 =	veq.s32 v46, $0x0;
	v55 =	vsel vm7, $0x1, v2;
	v5 =	vadd.s32 v10, v5  }
0x89: {  	v56 =	vld.idx.msk [tilespmem:v18+s17+$0x0], $0xffff;
	vm9 =	veq.s32 v48, $0x0;
	v57 =	vsel vm8, $0x1, v2;
	v5 =	vadd.s32 v55, v5  }
0x8a: {  	v58 =	vld.idx.msk [tilespmem:v15+s17+$0x0], $0xffff;
	vm10 =	veq.s32 v50, $0x0;
	v59 =	vsel vm9, $0x1, v2;
	v5 =	vadd.s32 v57, v5  }
0x8b: {  	vm11 =	veq.s32 v52, $0x0;
	v8 =	vsel vm10, $0x1, v2;
	v5 =	vadd.s32 v59, v5  }
0x8c: {  	v60 =	vsel vm11, $0x1, v2;
	vm12 =	veq.s32 v3, $0x0;
	v5 =	vadd.s32 v8, v5  }
0x8d: {  	vm13 =	veq.s32 v54, $0x0;
	v61 =	vsel vm12, $0x1, v2;
	v3 =	vadd.s32 v60, v5  }
0x8e: {  	vm14 =	veq.s32 v56, $0x0;
	v4 =	vsel vm13, $0x1, v2;
	v3 =	vadd.s32 v61, v3  }
0x8f: {  	vm15 =	veq.s32 v58, $0x0;
	v62 =	vsel vm14, $0x1, v2;
	v3 =	vadd.s32 v4, v3  }
0x90: {  	s20 =	rddreg [dreg:$0x8];
	v63 =	vsel vm15, $0x1, v2;
	v3 =	vadd.s32 v62, v3  }
0x91: {  	s1 =	rddreg [dreg:$0xc];
	v3 =	vadd.s32 v63, v3  }
0x92: {  	s4 =	rddreg [dreg:$0xd];
	s0 =	sadd.s32 $0x10, s0;
	v3 =	vshll.u32 v3, $0xB  }
0x93: {  	s7 =	simm.s32 $0x1;
	s10 =	simm.s32 $0x10;
	s21 =	sor.u32 $0x1C02, s18;
	[tilespmem:s0+$0x0] =	vst v3  }
0x94: {  	[spmem:s4@s22], [sflag:s1] =	dma.strided [hbm:s20@s10], $0x400, s7, $0x10   }
.Ltmp3:
0x95: {  	[dreg:$0x11] =	wrdreg s21;
	(pc) =	sbr.rel .LBB2_4-.Ltmp3, $4  }
0x96: {  	s0 =	rddreg [dreg:$0xe]  }
0x97: {  	s29 =	rddreg [dreg:$0x9];
	s23 =	sshrl.u32 s0, $0x3  }
0x98: {  	s0 =	simm.s32 $0x0;
	[dreg:$0x12] =	wrdreg s23  }
0x99: {  	[spmem:s23@s22], [sflag:s21] =	dma.strided [hbm:s29@s10], $0x400, s7, $0x10   }
.LBB2_21:
0x9a: {  	p0 =	seq.s32 s0, $0x0  }
0x9b: {  	s1 =	simm.s32 @!p0 $0x6  }
0x9c: {  	s4 =	sshll.u32 @!p0 s0, $0xB;
	s7 =	sshrl.u32 @!p0 s11, $0x3;
	_ =	swait.ge @!p0 [sflag:s1], $0x2000  }
0x9d: {  	s10 =	simm.s32 @!p0 $0x1;
	s4 =	sadd.s32 @!p0 s4, s13;
	[sflag:s1] =	ssyncset.done @!p0 $0x0  }
0x9e: {  	[sflag:s1] =	ssyncadd.s32 @!p0 $0xFFFFE000;
	s1 =	sand.u32 @!p0 $0x1FFFFC00, s4;
	s4 =	stileid.u32  }
0x9f: {  	s12 =	simm.s32 @!p0 $0x10;
	s14 =	simm.s32 @!p0 $0x80;
	s4 =	sshll.u32 @!p0 s4, $0x6  }
0xa0: {  	s0 =	sadd.s32 $0x1, s0;
	s1 =	sadd.s32 @!p0 s2, s1;
	s4 =	sor.u32 @!p0 $0x1C08, s4  }
0xa1: {  	[hbm:s1@s12], [sflag:s4] =	dma.strided @!p0 [spmem:s7@s14], $0x400, s10, $0x10   }
0xa2: {  	p0 =	sne.s32 s0, $0x21  }
.Ltmp4:
0xa3: {  	_ = 	snop;
	(pc) =	sbr.rel @!p0 .LBB2_22-.Ltmp4, $1  }
0xa4: {  	_ =	sdelay $0x3  }
.LBB2_4:
0xa5: {  	p0 =	sne.s32 s0, $0x20  }
.Ltmp5:
0xa6: {  	_ = 	snop;
	(pc) =	sbr.rel @p0 .LBB2_6-.Ltmp5, $2  }
0xa7: {  	_ =	sdelay $0x2  }
0xa8: {  	s20 =	sshll.u32 s0, $0x1  }
0xa9: {  	_ =	swait.ge [sflag:s24], $0x2000  }
0xaa: {  	[sflag:s24] =	ssyncset.done $0x0  }
0xab: {  	[sflag:s24] =	ssyncadd.s32 $0xFFFFE000  }
.LBB2_8:
0xac: {  	_ =	swait.ge [sflag:s25], $0x400  }
0xad: {  	[sflag:s25] =	ssyncset.done $0x0  }
0xae: {  	[sflag:s25] =	ssyncadd.s32 $0xFFFFFC00  }
.LBB2_9:
0xaf: {  	s1 =	sshll.u32 s0, $0x3;
	s14 =	simm.s32 $0x0  }
0xb0: {  	s12 =	simm.s32 $0xF940;
	s10 =	sadd.s32 $0xFFFFFFFC, s1;
	s1 =	simm.s32 $0xB940  }
.LBB2_10:
0xb1: {  	s4 =	sadd.s32 s10, s14  }
0xb2: {  	v3 =	vmov s4;
	_ =	sdelay $0x4  }
0xb3: {  	v3 =	vld.idx.msk [tilespmem:v3+s26+$0x0], $0xffff;
	_ =	sdelay $0x4  }
0xb4: {  	s16 =	simm.s32 $0x70;
	v3 =	vadd.s32 v0, v3  }
0xb5: {  	s19 =	simm.s32 $0x60;
	v4 =	vadd.s32 s16, v3  }
0xb6: {  	s21 =	simm.s32 $0x0;
	v5 =	vadd.s32 s19, v3  }
0xb7: {  	s23 =	simm.s32 $0x10;
	v6 =	vadd.s32 s21, v3  }
0xb8: {  	s7 =	simm.s32 $0x20;
	v8 =	vadd.s32 s23, v3  }
0xb9: {  	v13 =	vld [tilespmem:s1+$0x20];
	s16 =	simm.s32 $0x30;
	v9 =	vadd.s32 s7, v3  }
0xba: {  	s23 =	simm.s32 $0x50;
	v11 =	vadd.s32 s16, v3;
	v4 =	vld.idx.msk [tilespmem:v4+s3+$0x0], $0xffff  }
0xbb: {  	v14 =	vadd.s32 s23, v3;
	v12 =	vld.idx.msk [tilespmem:v5+s3+$0x0], $0xffff  }
0xbc: {  	s21 =	simm.s32 $0x40;
	v7 =	vld.idx.msk [tilespmem:v6+s3+$0x0], $0xffff  }
0xbd: {  	v5 =	vadd.s32 s21, v3;
	v10 =	vld.idx.msk [tilespmem:v8+s3+$0x0], $0xffff  }
0xbe: {  	v9 =	vld.idx.msk [tilespmem:v9+s3+$0x0], $0xffff  }
0xbf: {  	v8 =	vld.idx.msk [tilespmem:v11+s3+$0x0], $0xffff  }
0xc0: {  	v6 =	vld.idx.msk [tilespmem:v14+s3+$0x0], $0xffff  }
0xc1: {  	v11 =	vld [tilespmem:s1+$0xFFFFFFC0];
	v12 =	vadd.f32 v13, v12  }
0xc2: {  	s29 =	smov.u32 s12;
	v5 =	vld.idx.msk [tilespmem:v5+s3+$0x0], $0xffff  }
0xc3: {  	s4 =	smov.u32 s1;
	s19 =	simm.s32 $0x0;
	s21 =	simm.s32 $0xF0;
	[tilespmem:s12+$0x20] =	vst v12;
	v12 =	vld [tilespmem:s1+$0xFFFFFFD0]  }
.LBB2_11:
0xc4: {  	s23 =	sadd.s32 $0xFFFFFFA0, s21;
	s16 =	sadd.s32 $0xFFFFFFF0, s21;
	v13 =	vadd.s32 s21, v3;
	s19 =	sadd.s32 $0x8, s19;
	v14 =	vld [tilespmem:s4+$0xFFFFFFE0]  }
0xc5: {  	s7 =	sadd.s32 $0xFFFFFFC0, s21;
	v15 =	vadd.s32 s23, v3;
	s23 =	sadd.s32 $0xFFFFFFB0, s21;
	v16 =	vadd.s32 s16, v3;
	p0 =	slt.u32 s19, $0x78;
	v17 =	vld [tilespmem:s4+$0xFFFFFFF0]  }
0xc6: {  	s16 =	sadd.s32 $0xFFFFFF90, s21;
	v19 =	vadd.s32 s7, v3;
	s7 =	sadd.s32 $0xFFFFFFD0, s21;
	v18 =	vadd.s32 s23, v3;
	s23 =	sadd.s32 $0xFFFFFFE0, s21;
	v20 =	vld [tilespmem:s4+$0x0]  }
0xc7: {  	v21 =	vadd.s32 s16, v3;
	v22 =	vadd.s32 s7, v3;
	v23 =	vadd.s32 s23, v3;
	v24 =	vld [tilespmem:s4+$0x10]  }
0xc8: {  	v7 =	vadd.f32 v11, v7;
	v10 =	vadd.f32 v12, v10;
	v11 =	vld [tilespmem:s4+$0x30]  }
0xc9: {  	v12 =	vld.idx.msk [tilespmem:v13+s3+$0x0], $0xffff;
	v9 =	vadd.f32 v14, v9  }
0xca: {  	s4 =	sadd.s32 $0x80, s4;
	v13 =	vld.idx.msk [tilespmem:v16+s3+$0x0], $0xffff;
	[tilespmem:s29+$0xFFFFFFC0] =	vst v7;
	v8 =	vadd.f32 v17, v8  }
0xcb: {  	v14 =	vld [tilespmem:s4+$0x20];
	[tilespmem:s29+$0xFFFFFFD0] =	vst v10;
	v5 =	vadd.f32 v20, v5  }
0xcc: {  	v7 =	vld.idx.msk [tilespmem:v21+s3+$0x0], $0xffff;
	[tilespmem:s29+$0xFFFFFFE0] =	vst v9;
	v6 =	vadd.f32 v24, v6  }
0xcd: {  	v10 =	vld.idx.msk [tilespmem:v15+s3+$0x0], $0xffff;
	[tilespmem:s29+$0xFFFFFFF0] =	vst v8;
	v11 =	vadd.f32 v11, v4  }
0xce: {  	v9 =	vld.idx.msk [tilespmem:v18+s3+$0x0], $0xffff;
	[tilespmem:s29+$0x0] =	vst v5  }
.Ltmp6:
0xcf: {  	v4 =	vmov v12;
	v8 =	vld.idx.msk [tilespmem:v19+s3+$0x0], $0xffff;
	[tilespmem:s29+$0x10] =	vst v6;
	(pc) =	sbr.rel @p0 .LBB2_11-.Ltmp6, $4  }
0xd0: {  	v5 =	vld.idx.msk [tilespmem:v22+s3+$0x0], $0xffff;
	v12 =	vadd.f32 v14, v13;
	[tilespmem:s29+$0x30] =	vst v11  }
0xd1: {  	s29 =	sadd.s32 $0x80, s29;
	v6 =	vld.idx.msk [tilespmem:v23+s3+$0x0], $0xffff  }
0xd2: {  	v11 =	vld [tilespmem:s4+$0xFFFFFFC0];
	[tilespmem:s29+$0x20] =	vst v12  }
0xd3: {  	s21 =	sadd.s32 $0x80, s21;
	v12 =	vld [tilespmem:s4+$0xFFFFFFD0]  }
0xd4: {  	v3 =	vld [tilespmem:s4+$0xFFFFFFE0]  }
0xd5: {  	v13 =	vld [tilespmem:s4+$0xFFFFFFF0]  }
0xd6: {  	v14 =	vld [tilespmem:s4+$0x0]  }
0xd7: {  	v62 =	vld [tilespmem:s4+$0x30];
	v7 =	vadd.f32 v11, v7  }
0xd8: {  	v15 =	vld [tilespmem:s4+$0x10];
	v10 =	vadd.f32 v12, v10  }
0xd9: {  	s14 =	sadd.s32 $0x1, s14;
	v3 =	vadd.f32 v3, v9;
	[tilespmem:s29+$0xFFFFFFC0] =	vst v7  }
0xda: {  	p0 =	sne.s32 s14, $0x4;
	v63 =	vadd.f32 v13, v8;
	[tilespmem:s29+$0xFFFFFFD0] =	vst v10  }
.Ltmp7:
0xdb: {  	v5 =	vadd.f32 v14, v5;
	[tilespmem:s29+$0xFFFFFFE0] =	vst v3;
	(pc) =	sbr.rel @p0 .LBB2_10-.Ltmp7, $4  }
0xdc: {  	v4 =	vadd.f32 v62, v4;
	[tilespmem:s29+$0xFFFFFFF0] =	vst v63  }
0xdd: {  	v3 =	vadd.f32 v15, v6;
	[tilespmem:s29+$0x0] =	vst v5  }
0xde: {  	[tilespmem:s29+$0x30] =	vst v4  }
0xdf: {  	s12 =	sadd.s32 $0x800, s12;
	s1 =	sadd.s32 $0x800, s1;
	[tilespmem:s29+$0x10] =	vst v3  }
0xe0: {  	s1 =	simm.s32 $0xF900  }
0xe1: {  	[spmem:s11] =	stream.strided.scatter [tilespmem:s1], [sflag:$0x6], $0x2000, s28, s22, $0x38;
	[tilespmem:$0x19900] =	vst v63  }
0xe2: {  	_ =	swait.ge [sflag:s30], $0x2000  }
0xe3: {  	s23 =	sshll.u32 s0, $0xB;
	p0 =	seq.s32 s0, $0x20;
	s4 =	rddreg [dreg:$0xf]  }
.Ltmp8:
0xe4: {  	s29 =	sor.u32 $0x1C07, s18;
	s1 =	sadd.s32 s4, s23;
	(pc) =	sbr.rel @p0 .LBB2_15-.Ltmp8, $4  }
.Ltmp9:
0xe5: {  	[sflag:s30] =	ssyncset.done $0x0;
	s1 =	sand.u32 $0x1FFFF800, s1;
	(pc) =	sbr.rel @!p0 .LBB2_14-.Ltmp9, $4  }
0xe6: {  	s7 =	sshrl.u32 s9, $0x3;
	[sflag:s30] =	ssyncadd.s32 $0xFFFFE000;
	s1 =	sadd.s32 s2, s1  }
0xe7: {  	[hbm:s1@s15], [sflag:s29] =	dma.strided [spmem:s7@s22], $0x400, s8, $0x10   }
0xe8: {  	s1 =	sor.u32 $0x1, s20  }
0xe9: {  	_ = 	snop  }
.LBB2_6:
0xea: {  	s29 =	sadd.s32 $0xFFFFFFFE, s20  }
0xeb: {  	p0 =	sgt.u32 s29, $0x3F  }
.Ltmp10:
0xec: {  	s1 =	simm.s32 $0x1;
	(pc) =	sbr.rel @p0 .LBB2_14-.Ltmp10, $4  }
0xed: {  	_ =	swait.ge [sflag:s1], $0x400  }
0xee: {  	[sflag:s1] =	ssyncset.done $0x0  }
0xef: {  	s4 =	simm.s32 $0x9900;
	[sflag:s1] =	ssyncadd.s32 $0xFFFFFC00  }
0xf0: {  	[tilespmem:s4], [sflag:$0x3] =	stream.strided.gather [spmem:s6], $0x2000, s28, s22, $0x38;
	[tilespmem:$0x19900] =	vst v63  }
0xf1: {  	p0 =	slt.u32 s0, $0x2  }
.Ltmp11:
0xf2: {  	_ =	swait.ge [sflag:s24], $0x2000;
	(pc) =	sbr.rel @p0 .LBB2_9-.Ltmp11, $4  }
.Ltmp12:
0xf3: {  	s4 =	rddreg [dreg:$0x9];
	(pc) =	sbr.rel @!p0 .LBB2_8-.Ltmp12, $4  }
0xf4: {  	s1 =	sshll.u32 s0, $0xB;
	[sflag:s24] =	ssyncset.done $0x0;
	s29 =	rddreg [dreg:$0x11]  }
0xf5: {  	s7 =	rddreg [dreg:$0x12];
	[sflag:s24] =	ssyncadd.s32 $0xFFFFE000;
	s1 =	sadd.s32 s1, s4  }
0xf6: {  	[spmem:s7@s22], [sflag:s29] =	dma.strided [hbm:s1@s15], $0x400, s8, $0x10   }
0xf7: {  	_ = 	snop  }
.LBB2_14:
0xf8: {  	_ =	swait.ge [sflag:s5], $0x400  }
0xf9: {  	[sflag:s5] =	ssyncset.done $0x0  }
0xfa: {  	s7 =	simm.s32 $0xB900;
	s4 =	rddreg [dreg:$0xe];
	[sflag:s5] =	ssyncadd.s32 $0xFFFFFC00  }
0xfb: {  	[tilespmem:s7], [sflag:$0x4] =	stream.strided.gather [spmem:s4], $0x2000, s28, s22, $0x38;
	[tilespmem:$0x19900] =	vst v63  }
.LBB2_15:
0xfc: {  	p0 =	sgt.u32 s1, $0x40  }
.Ltmp13:
0xfd: {  	_ = 	snop;
	(pc) =	sbr.rel @p0 .LBB2_21-.Ltmp13, $1  }
0xfe: {  	_ =	sdelay $0x3  }
0xff: {  	_ =	swait.ge [sflag:s31], $0x2000;
	p0 =	sgt.u32 s0, $0x1E  }
0x100: {  	[sflag:s31] =	ssyncset.done $0x0;
	s1 =	sshll.u32 @!p0 s0, $0xB  }
0x101: {  	s4 =	rddreg [dreg:$0xa];
	s7 =	simm.s32 @!p0 $0x1;
	s10 =	simm.s32 @!p0 $0x80  }
0x102: {  	s12 =	simm.s32 @!p0 $0x10;
	s14 =	rddreg [dreg:$0xc];
	p1 =	seq.s32 @!p0 s0, $0x0  }
0x103: {  	[sflag:s31] =	ssyncadd.s32 $0xFFFFE000;
	s1 =	sadd.s32 @!p0 s1, s4;
	s4 =	sshrl.u32 @!p0 s6, $0x3  }
0x104: {  	[spmem:s4@s10], [sflag:s14] =	dma.strided @!p0 [hbm:s1@s12], $0x400, s7, $0x10   }
0x105: {  	p0 =	por p0, !p1  }
0x106: {  	s1 =	simm.s32 @p0 $0x7  }
0x107: {  	_ =	swait.ge @p0 [sflag:s1], $0x400  }
0x108: {  	s20 =	simm.s32 $0xD940;
	s10 =	sshll.u32 s0, $0x3;
	[sflag:s1] =	ssyncset.done @p0 $0x0  }
0x109: {  	s14 =	simm.s32 $0x0;
	s4 =	simm.s32 $0x9940;
	[sflag:s1] =	ssyncadd.s32 @p0 $0xFFFFFC00  }
.LBB2_17:
0x10a: {  	s1 =	sadd.s32 s10, s14  }
0x10b: {  	v3 =	vmov s1;
	_ =	sdelay $0x4  }
0x10c: {  	v3 =	vld.idx.msk [tilespmem:v3+s26+$0x0], $0xffff;
	_ =	sdelay $0x4  }
0x10d: {  	s29 =	simm.s32 $0x70;
	v3 =	vadd.s32 v0, v3  }
0x10e: {  	s7 =	simm.s32 $0x60;
	v4 =	vadd.s32 s29, v3  }
0x10f: {  	s12 =	simm.s32 $0x0;
	v5 =	vadd.s32 s7, v3  }
0x110: {  	s16 =	simm.s32 $0x10;
	v6 =	vadd.s32 s12, v3  }
0x111: {  	s19 =	simm.s32 $0x20;
	v8 =	vadd.s32 s16, v3  }
0x112: {  	s21 =	simm.s32 $0x30;
	v13 =	vld [tilespmem:s4+$0x20];
	v9 =	vadd.s32 s19, v3  }
0x113: {  	v11 =	vadd.s32 s21, v3;
	v4 =	vld.idx.msk [tilespmem:v4+s3+$0x0], $0xffff  }
0x114: {  	s29 =	simm.s32 $0x50;
	v12 =	vld.idx.msk [tilespmem:v5+s3+$0x0], $0xffff  }
0x115: {  	s23 =	simm.s32 $0x40;
	v14 =	vadd.s32 s29, v3;
	v7 =	vld.idx.msk [tilespmem:v6+s3+$0x0], $0xffff  }
0x116: {  	v5 =	vadd.s32 s23, v3;
	v10 =	vld.idx.msk [tilespmem:v8+s3+$0x0], $0xffff  }
0x117: {  	v9 =	vld.idx.msk [tilespmem:v9+s3+$0x0], $0xffff  }
0x118: {  	v8 =	vld.idx.msk [tilespmem:v11+s3+$0x0], $0xffff  }
0x119: {  	v11 =	vld [tilespmem:s4+$0xFFFFFFC0]  }
0x11a: {  	v6 =	vld.idx.msk [tilespmem:v14+s3+$0x0], $0xffff;
	v12 =	vadd.f32 v13, v12  }
0x11b: {  	s1 =	smov.u32 s4;
	v5 =	vld.idx.msk [tilespmem:v5+s3+$0x0], $0xffff  }
0x11c: {  	s19 =	simm.s32 $0x0;
	s21 =	simm.s32 $0xF0;
	s12 =	smov.u32 s20;
	[tilespmem:s20+$0x20] =	vst v12;
	v12 =	vld [tilespmem:s4+$0xFFFFFFD0]  }
.LBB2_18:
0x11d: {  	s7 =	sadd.s32 $0xFFFFFFA0, s21;
	s16 =	sadd.s32 $0xFFFFFFF0, s21;
	v13 =	vadd.s32 s21, v3;
	s19 =	sadd.s32 $0x8, s19;
	v14 =	vld [tilespmem:s1+$0xFFFFFFE0]  }
0x11e: {  	s23 =	sadd.s32 $0xFFFFFFC0, s21;
	v15 =	vadd.s32 s7, v3;
	s7 =	sadd.s32 $0xFFFFFFB0, s21;
	v16 =	vadd.s32 s16, v3;
	p0 =	slt.u32 s19, $0x78;
	v17 =	vld [tilespmem:s1+$0xFFFFFFF0]  }
0x11f: {  	s16 =	sadd.s32 $0xFFFFFF90, s21;
	v19 =	vadd.s32 s23, v3;
	s23 =	sadd.s32 $0xFFFFFFE0, s21;
	v18 =	vadd.s32 s7, v3;
	s7 =	sadd.s32 $0xFFFFFFD0, s21;
	v20 =	vld [tilespmem:s1+$0x0]  }
0x120: {  	v21 =	vadd.s32 s16, v3;
	v23 =	vadd.s32 s23, v3;
	v22 =	vadd.s32 s7, v3;
	v24 =	vld [tilespmem:s1+$0x10]  }
0x121: {  	v7 =	vadd.f32 v11, v7;
	v10 =	vadd.f32 v12, v10;
	v11 =	vld [tilespmem:s1+$0x30]  }
0x122: {  	v12 =	vld.idx.msk [tilespmem:v13+s3+$0x0], $0xffff;
	v9 =	vadd.f32 v14, v9  }
0x123: {  	s1 =	sadd.s32 $0x80, s1;
	v13 =	vld.idx.msk [tilespmem:v16+s3+$0x0], $0xffff;
	[tilespmem:s12+$0xFFFFFFC0] =	vst v7;
	v8 =	vadd.f32 v17, v8  }
0x124: {  	v14 =	vld [tilespmem:s1+$0x20];
	[tilespmem:s12+$0xFFFFFFD0] =	vst v10;
	v5 =	vadd.f32 v20, v5  }
0x125: {  	v7 =	vld.idx.msk [tilespmem:v21+s3+$0x0], $0xffff;
	[tilespmem:s12+$0xFFFFFFE0] =	vst v9;
	v6 =	vadd.f32 v24, v6  }
0x126: {  	v10 =	vld.idx.msk [tilespmem:v15+s3+$0x0], $0xffff;
	[tilespmem:s12+$0xFFFFFFF0] =	vst v8;
	v11 =	vadd.f32 v11, v4  }
0x127: {  	v9 =	vld.idx.msk [tilespmem:v18+s3+$0x0], $0xffff;
	[tilespmem:s12+$0x0] =	vst v5  }
.Ltmp14:
0x128: {  	v4 =	vmov v12;
	v8 =	vld.idx.msk [tilespmem:v19+s3+$0x0], $0xffff;
	[tilespmem:s12+$0x10] =	vst v6;
	(pc) =	sbr.rel @p0 .LBB2_18-.Ltmp14, $4  }
0x129: {  	v5 =	vld.idx.msk [tilespmem:v22+s3+$0x0], $0xffff;
	v12 =	vadd.f32 v14, v13;
	[tilespmem:s12+$0x30] =	vst v11  }
0x12a: {  	s12 =	sadd.s32 $0x80, s12;
	v6 =	vld.idx.msk [tilespmem:v23+s3+$0x0], $0xffff  }
0x12b: {  	v11 =	vld [tilespmem:s1+$0xFFFFFFC0];
	[tilespmem:s12+$0x20] =	vst v12  }
0x12c: {  	s21 =	sadd.s32 $0x80, s21;
	v12 =	vld [tilespmem:s1+$0xFFFFFFD0]  }
0x12d: {  	v3 =	vld [tilespmem:s1+$0xFFFFFFE0]  }
0x12e: {  	v13 =	vld [tilespmem:s1+$0xFFFFFFF0]  }
0x12f: {  	v14 =	vld [tilespmem:s1+$0x0]  }
0x130: {  	v62 =	vld [tilespmem:s1+$0x30];
	v7 =	vadd.f32 v11, v7  }
0x131: {  	v15 =	vld [tilespmem:s1+$0x10];
	v10 =	vadd.f32 v12, v10  }
0x132: {  	s14 =	sadd.s32 $0x1, s14;
	v3 =	vadd.f32 v3, v9;
	[tilespmem:s12+$0xFFFFFFC0] =	vst v7  }
0x133: {  	p0 =	sne.s32 s14, $0x4;
	v63 =	vadd.f32 v13, v8;
	[tilespmem:s12+$0xFFFFFFD0] =	vst v10  }
.Ltmp15:
0x134: {  	v5 =	vadd.f32 v14, v5;
	[tilespmem:s12+$0xFFFFFFE0] =	vst v3;
	(pc) =	sbr.rel @p0 .LBB2_17-.Ltmp15, $4  }
0x135: {  	v4 =	vadd.f32 v62, v4;
	[tilespmem:s12+$0xFFFFFFF0] =	vst v63  }
0x136: {  	v3 =	vadd.f32 v15, v6;
	[tilespmem:s12+$0x0] =	vst v5  }
0x137: {  	[tilespmem:s12+$0x30] =	vst v4  }
0x138: {  	s20 =	sadd.s32 $0x800, s20;
	s4 =	sadd.s32 $0x800, s4;
	[tilespmem:s12+$0x10] =	vst v3  }
.Ltmp16:
0x139: {  	(pc) =	sbr.rel .LBB2_21-.Ltmp16, $3  }
0x13a: {  	_ =	sdelay $0x1  }
0x13b: {  	s1 =	simm.s32 $0xD900  }
0x13c: {  	[spmem:s9] =	stream.strided.scatter [tilespmem:s1], [sflag:$0x5], $0x2000, s28, s22, $0x38;
	[tilespmem:$0x19900] =	vst v63  }
.LBB2_23:
0x13d: {  	_ =	sfence.sel $0x180000  }
0x13e: {  	[bflag:$0x0] =	sbarrier.arrive $0xFFFF  }
0x13f: {  	_ =	strace $0x90000047  }
0x140: {  	s0 =	stileid.u32;
	[bflag:$0x2] =	sbarrier.arrive $0xFFFF  }
0x141: {  	p0 =	sne.s32 s0, $0x0;
	s0 =	rddreg [dreg:$0x6]  }
0x142: {  	s0 =	sadd.s32 @!p0 $0x100000, s0  }
0x143: {  	[sflag:s0] =	ssyncadd.tile.s32 @!p0 $0x1;
	_ =	shalt  }
.Lfunc_end2:
_tile_overlayer_lowered:
.L_overlay_start_2:
0x144: {  	(tag) =	ssettag $0x2  }
0x145: {  	s0 =	rddreg [dreg:$0x0];
	s2 =	stileid.u32  }
0x146: {  	s1 =	rddreg [dreg:$0x1];
	p0 =	sne.s32 s2, $0x0  }
0x147: {  	s3 =	rddreg [dreg:$0x2];
	[bflag:$0x3] =	sbarrier.arrive $0xFFFF;
	s2 =	simm.s32 @!p0 $0x1C09  }
0x148: {  	[timem:s3], [sflag:s2] =	dma.local @!p0 [hbm:s0], s1  }
0x149: {  	s0 =	simm.s32 @!p0 $0x9  }
0x14a: {  	_ =	swait.ge @!p0 [sflag:s0], s1  }
0x14b: {  	s1 =	ssub.s32 @!p0 $0x0, s1;
	[sflag:s0] =	ssyncset.done @!p0 $0x0  }
0x14c: {  	[sflag:s0] =	ssyncadd.s32 @!p0 s1  }
0x14d: {  	[bflag:$0x3] =	sbarrier.arrive $0xFFFF  }
0x14e: {  	_ =	shalt  }

</sc_bundles>
